<compile_context>
chip_gen: v7x
topology: tpu7x:2x2x1
jax: 0.10.2.dev20260603
libtpu: 0.0.44.dev20260713+nightly
codegen_flags: <defaults>
</compile_context>

<pallas_src>
import functools
import math

import jax
import jax.numpy as jnp
from jax.experimental import pallas as pl
from jax.experimental.pallas import tpu as pltpu
from jax.experimental.pallas import tpu_sc as plsc

_K = 4
_D = 1024
_LAYERS = ((2048, 512, 512), (512, 256, 512), (128, 128, 128))
_SC_LAYERS = tuple(
    dict(H=h, NK=n * _K, cpt=(n * _K) // 16) for (n, h, _) in _LAYERS
)


def _dense(en, eh, w, b, beta, phi):
    return _dense_hy(en, jnp.tanh(eh * beta), w, b, phi)


def _dense_hy(en, hyperen, w, b, phi):
    nodeec = jnp.tanh(en * phi)
    a = jax.lax.dot_general(nodeec, hyperen, (((1,), (1,)), ((), ())),
                            preferred_element_type=jnp.float32)
    adj = jax.lax.dot_general(jnp.maximum(a, 0.0), w,
                              (((1,), (1,)), ((), ())),
                              preferred_element_type=jnp.float32)
    return adj + b


def _rank_part(adj, carry):
    bsz, hsz = adj.shape
    lane = jax.lax.broadcasted_iota(jnp.int32, (bsz, hsz), 1)
    work = adj
    idxs = []
    mask = jnp.zeros((bsz, hsz), jnp.float32)
    for _ in range(_K):
        m = jnp.max(work, axis=1, keepdims=True)
        cand = jnp.where(work == m, lane, hsz)
        idx = jnp.min(cand, axis=1, keepdims=True)
        oh = lane == idx
        mask = mask + oh.astype(jnp.float32)
        work = jnp.where(oh, -jnp.inf, work)
        idxs.append(idx)
    ri = jax.lax.broadcasted_iota(jnp.int32, (bsz, bsz), 0)
    ci = jax.lax.broadcasted_iota(jnp.int32, (bsz, bsz), 1)
    slt = (ci < ri).astype(jnp.float32)
    prefix = jax.lax.dot_general(slt, mask, (((1,), (0,)), ((), ())),
                                 preferred_element_type=jnp.float32)
    prefix = prefix + carry
    colsum = jnp.sum(mask, axis=0, keepdims=True)
    ranks = []
    for k in range(_K):
        oh = lane == idxs[k]
        ranks.append(jnp.sum(jnp.where(oh, prefix, 0.0), axis=1, keepdims=True))
    hr = jax.lax.broadcasted_iota(jnp.int32, (hsz, hsz), 0)
    hc = jax.lax.broadcasted_iota(jnp.int32, (hsz, hsz), 1)
    sut = (hr < hc).astype(jnp.float32)
    start = jax.lax.dot_general(carry + colsum, sut, (((1,), (0,)), ((), ())),
                                precision=jax.lax.Precision.HIGHEST,
                                preferred_element_type=jnp.float32)
    packed = (jnp.concatenate(ranks, axis=1).astype(jnp.int32) << 10) | \
        jnp.concatenate(idxs, axis=1)
    return packed, start.astype(jnp.int32), colsum


def _tc_all_body(beta_ref, phi_ref, en0_ref, en1_ref, en2_ref,
                 eh0_ref, eh1_ref, eh2_ref, w0_ref, w1_ref, w2_ref,
                 b0_ref, b1_ref, b2_ref,
                 pk0_ref, st0_ref, pk1_ref, st1_ref,
                 pk2_ref, st2_ref, carry_ref, hy0_ref):
    i = pl.program_id(0)
    beta = beta_ref[0, 0]
    phi = phi_ref[0, 0]

    @pl.when(i < 4)
    def _():
        @pl.when(i == 0)
        def _():
            carry_ref[...] = jnp.zeros_like(carry_ref)
            hy0_ref[...] = jnp.tanh(eh0_ref[...] * beta)
        adj = _dense_hy(en0_ref[...], hy0_ref[...], w0_ref[...],
                        b0_ref[...], phi)
        packed, start, colsum = _rank_part(adj, carry_ref[...])
        carry_ref[...] = carry_ref[...] + colsum
        pk0_ref[...] = packed
        st0_ref[...] = start

    @pl.when(i == 4)
    def _():
        adj1 = _dense(en1_ref[...], eh1_ref[...], w1_ref[...], b1_ref[...],
                      beta, phi)
        packed, start, _ = _rank_part(
            adj1, jnp.zeros((1, _LAYERS[1][1]), jnp.float32))
        pk1_ref[...] = packed
        st1_ref[...] = start

    @pl.when(i == 5)
    def _():
        adj2 = _dense(en2_ref[...], eh2_ref[...], w2_ref[...], b2_ref[...],
                      beta, phi)
        packed, start, _ = _rank_part(
            adj2, jnp.zeros((1, _LAYERS[2][1]), jnp.float32))
        pk2_ref[...] = packed
        st2_ref[...] = start


def _tc_all(ens, ehs, ws, bs, beta2d, phi2d):
    sspec = pl.BlockSpec((1, 1), lambda i: (0, 0), memory_space=pltpu.SMEM)
    const = lambda bshape: pl.BlockSpec(bshape, lambda i: (0, 0))
    l0 = lambda bshape: pl.BlockSpec(bshape, lambda i: (jnp.minimum(i, 3), 0))
    (n0, h0, blk0), (n1, h1, _), (n2, h2, _) = _LAYERS
    out = pl.pallas_call(
        _tc_all_body,
        grid=(6,),
        in_specs=[
            sspec, sspec,
            l0((blk0, _D)), const((n1, _D)), const((n2, _D)),
            const((h0, _D)), const((h1, _D)), const((h2, _D)),
            const((h0, h0)), const((h1, h1)), const((h2, h2)),
            const((1, h0)), const((1, h1)), const((1, h2)),
        ],
        out_specs=[
            l0((blk0, _K)), const((1, h0)),
            const((n1, _K)), const((1, h1)),
            const((n2, _K)), const((1, h2)),
        ],
        out_shape=[
            jax.ShapeDtypeStruct((n0, _K), jnp.int32),
            jax.ShapeDtypeStruct((1, h0), jnp.int32),
            jax.ShapeDtypeStruct((n1, _K), jnp.int32),
            jax.ShapeDtypeStruct((1, h1), jnp.int32),
            jax.ShapeDtypeStruct((n2, _K), jnp.int32),
            jax.ShapeDtypeStruct((1, h2), jnp.int32),
        ],
        scratch_shapes=[pltpu.VMEM((1, h0), jnp.float32),
                        pltpu.VMEM((h0, _D), jnp.float32)],
    )(beta2d, phi2d, ens[0], ens[1], ens[2], ehs[0], ehs[1], ehs[2],
      ws[0], ws[1], ws[2], bs[0], bs[1], bs[2])
    return out


_UNROLL = 8


def _scan_layer(pf, stb, rb, cb, lo, cpt, nk):
    hi = lo + cpt
    iota_d4 = jax.lax.iota(jnp.int32, 16) >> 2

    def body(g):
        v = pf[pl.ds(g * 16, 16)]
        c = v & 1023
        rk = v >> 10
        pos = plsc.load_gather(stb, [c]) + rk
        keep = (pos >= lo) & (pos < hi)
        row = g * 4 + iota_d4
        plsc.store_scatter(rb, [pos - lo], row, mask=keep)
        plsc.store_scatter(cb, [pos - lo], c, mask=keep)

    plsc.parallel_loop(0, nk // 16, 1, unroll=_UNROLL)(body)


def _sc_body(pk0, st0, pk1, st1, pk2, st2,
             orow0, ocol0, orow1, ocol1, orow2, ocol2,
             stb0, stb1, stb2, pf0, pf1, pf2,
             rb0, cb0, rb1, cb1, rb2, cb2, sem_ld, sem_st):
    cid = jax.lax.axis_index("c")
    sid = jax.lax.axis_index("s")
    cpt0, cpt1, cpt2 = (_SC_LAYERS[i]["cpt"] for i in range(3))
    nk0, nk1, nk2 = (_SC_LAYERS[i]["NK"] for i in range(3))

    @pl.when(cid == 0)
    def _():
        l1 = pltpu.async_copy(st0, stb0, sem_ld)
        l2 = pltpu.async_copy(pk0, pf0, sem_ld)
        l1.wait()
        l2.wait()
        lo = sid * cpt0
        _scan_layer(pf0, stb0, rb0, cb0, lo, cpt0, nk0)
        s1 = pltpu.async_copy(rb0, orow0.at[pl.ds(lo, cpt0)], sem_st)
        s2 = pltpu.async_copy(cb0, ocol0.at[pl.ds(lo, cpt0)], sem_st)
        s1.wait()
        s2.wait()

    @pl.when(cid == 1)
    def _():
        lds = [
            pltpu.async_copy(st1, stb1, sem_ld),
            pltpu.async_copy(st2, stb2, sem_ld),
            pltpu.async_copy(pk1, pf1, sem_ld),
            pltpu.async_copy(pk2, pf2, sem_ld),
        ]
        for cp in lds:
            cp.wait()
        lo1 = sid * cpt1
        lo2 = sid * cpt2
        _scan_layer(pf1, stb1, rb1, cb1, lo1, cpt1, nk1)
        s1 = pltpu.async_copy(rb1, orow1.at[pl.ds(lo1, cpt1)], sem_st)
        s2 = pltpu.async_copy(cb1, ocol1.at[pl.ds(lo1, cpt1)], sem_st)
        _scan_layer(pf2, stb2, rb2, cb2, lo2, cpt2, nk2)
        s3 = pltpu.async_copy(rb2, orow2.at[pl.ds(lo2, cpt2)], sem_st)
        s4 = pltpu.async_copy(cb2, ocol2.at[pl.ds(lo2, cpt2)], sem_st)
        for cp in (s1, s2, s3, s4):
            cp.wait()


def _sc_finalize(pks, sts):
    nk = [c["NK"] for c in _SC_LAYERS]
    out_type = [jax.ShapeDtypeStruct((nk[0],), jnp.int32),
                jax.ShapeDtypeStruct((nk[0],), jnp.int32),
                jax.ShapeDtypeStruct((nk[1],), jnp.int32),
                jax.ShapeDtypeStruct((nk[1],), jnp.int32),
                jax.ShapeDtypeStruct((nk[2],), jnp.int32),
                jax.ShapeDtypeStruct((nk[2],), jnp.int32)]
    scratch = [
        pltpu.VMEM((_SC_LAYERS[0]["H"],), jnp.int32),
        pltpu.VMEM((_SC_LAYERS[1]["H"],), jnp.int32),
        pltpu.VMEM((_SC_LAYERS[2]["H"],), jnp.int32),
        pltpu.VMEM((_SC_LAYERS[0]["NK"],), jnp.int32),
        pltpu.VMEM((_SC_LAYERS[1]["NK"],), jnp.int32),
        pltpu.VMEM((_SC_LAYERS[2]["NK"],), jnp.int32),
        pltpu.VMEM((_SC_LAYERS[0]["cpt"],), jnp.int32),
        pltpu.VMEM((_SC_LAYERS[0]["cpt"],), jnp.int32),
        pltpu.VMEM((_SC_LAYERS[1]["cpt"],), jnp.int32),
        pltpu.VMEM((_SC_LAYERS[1]["cpt"],), jnp.int32),
        pltpu.VMEM((_SC_LAYERS[2]["cpt"],), jnp.int32),
        pltpu.VMEM((_SC_LAYERS[2]["cpt"],), jnp.int32),
        pltpu.SemaphoreType.DMA,
        pltpu.SemaphoreType.DMA,
    ]
    run = pl.kernel(
        _sc_body,
        out_type=out_type,
        mesh=plsc.VectorSubcoreMesh(core_axis_name="c", subcore_axis_name="s"),
        scratch_types=scratch,
        compiler_params=pltpu.CompilerParams(needs_layout_passes=False),
    )
    return run(pks[0], sts[0], pks[1], sts[1], pks[2], sts[2])


def kernel(x, beta, phi, embedhy_0, embednod_0, lin_w_0, lin_b_0,
           embedhy_1, embednod_1, lin_w_1, lin_b_1,
           embedhy_2, embednod_2, lin_w_2, lin_b_2):
    del x
    beta2d = jnp.reshape(beta, (1, 1)).astype(jnp.float32)
    phi2d = jnp.reshape(phi, (1, 1)).astype(jnp.float32)
    ens = (embednod_0, embednod_1, embednod_2)
    ehs = (embedhy_0, embedhy_1, embedhy_2)
    ws = (lin_w_0, lin_w_1, lin_w_2)
    bs = tuple(jnp.reshape(b, (1, -1))
               for b in (lin_b_0, lin_b_1, lin_b_2))
    outs = _tc_all(ens, ehs, ws, bs, beta2d, phi2d)
    pks, sts = [], []
    for li, (n, h, _) in enumerate(_LAYERS):
        pks.append(jnp.reshape(outs[2 * li], (n * _K,)))
        sts.append(jnp.reshape(outs[2 * li + 1], (h,)))
    r0, c0, r1, c1, r2, c2 = _sc_finalize(pks, sts)
    return (jnp.stack([r0, c0]), jnp.stack([r1, c1]), jnp.stack([r2, c2]))

# --- scband reference (transcript-rebuilt; emitter-appended) ---
"""Pipeline reference for scband-multi-adaptive-hypergraoh-6571299962945 (READ-ONLY COPY).

The authoritative reference and input builder live on the scoring server;
editing this copy changes nothing except your own understanding.
"""

import jax, jax.numpy as jnp
import numpy as np
import math

SEQ_LEN = 2048
WINDOW = [4, 4]
DIM = 1024
HYPER = [512, 256, 128]
K = 4


def _node_nums():
    nn = [SEQ_LEN]
    for w in WINDOW:
        nn.append(nn[-1] // w)
    return nn


def setup_inputs(seed: int = 0):
    key = jax.random.key(seed)
    ks = jax.random.split(key, 16)
    nn = _node_nums()
    inp = {"x": jax.random.normal(ks[0], (4, SEQ_LEN, DIM), dtype=jnp.float32)}
    inp["beta"] = jnp.array(1.0, dtype=jnp.float32)
    inp["phi"] = jnp.array(1.0, dtype=jnp.float32)
    for i in range(len(HYPER)):
        inp[f"embedhy_{i}"] = jax.random.normal(ks[1 + 4 * i], (HYPER[i], DIM), dtype=jnp.float32) * 0.02
        inp[f"embednod_{i}"] = jax.random.normal(ks[2 + 4 * i], (nn[i], DIM), dtype=jnp.float32) * 0.02
        inp[f"lin_w_{i}"] = jax.random.normal(ks[3 + 4 * i], (HYPER[i], HYPER[i]), dtype=jnp.float32) / math.sqrt(HYPER[i])
        inp[f"lin_b_{i}"] = jnp.zeros((HYPER[i],), dtype=jnp.float32)
    return inp


def _hypergraph(adj):
    # Replicates: topk(k=4) per row -> binary mask -> per-column nonzero rows,
    # concatenated column-major -> vstack(node_list, hyperedge_list).
    # Each row contributes exactly K distinct columns, so nnz = N*K and the
    # (row, col) pairs sorted by (col, row) reproduce torch's nonzero ordering.
    N = adj.shape[0]
    k = min(adj.shape[1], K)
    _, t1 = jax.lax.top_k(adj, k)
    rows = jnp.repeat(jnp.arange(N, dtype=jnp.int32), k)
    cols = t1.reshape(-1).astype(jnp.int32)
    order = jnp.argsort(cols * N + rows)
    return jnp.stack([rows[order], cols[order]])


def reference(x, beta, phi,
              embedhy_0, embednod_0, lin_w_0, lin_b_0,
              embedhy_1, embednod_1, lin_w_1, lin_b_1,
              embedhy_2, embednod_2, lin_w_2, lin_b_2):
    layers = [
        (embedhy_0, embednod_0, lin_w_0, lin_b_0),
        (embedhy_1, embednod_1, lin_w_1, lin_b_1),
        (embedhy_2, embednod_2, lin_w_2, lin_b_2),
    ]
    outs = []
    for eh, en, w, b in layers:
        hyperen = jnp.tanh(eh * beta)
        nodeec = jnp.tanh(en * phi)
        a = nodeec @ hyperen.T
        adj = jax.nn.relu(a) @ w.T + b
        outs.append(_hypergraph(adj))
    return tuple(outs)

if __name__ == "__main__":
    import jax
    _d = setup_inputs()
    print(jax.jit(kernel)(*tuple(_d.values())))

</pallas_src>

<mosaic_0001>
#map = affine_map<(d0, d1) -> (0)>
module attributes {stable_mosaic.version = 14 : i64} {
  func.func @_sc_body(%arg0: i32, %arg1: i32, %arg2: memref<8192xi32, #tpu.memory_space<hbm>>, %arg3: memref<512xi32, #tpu.memory_space<hbm>>, %arg4: memref<2048xi32, #tpu.memory_space<hbm>>, %arg5: memref<256xi32, #tpu.memory_space<hbm>>, %arg6: memref<512xi32, #tpu.memory_space<hbm>>, %arg7: memref<128xi32, #tpu.memory_space<hbm>>, %arg8: memref<8192xi32, #tpu.memory_space<hbm>>, %arg9: memref<8192xi32, #tpu.memory_space<hbm>>, %arg10: memref<2048xi32, #tpu.memory_space<hbm>>, %arg11: memref<2048xi32, #tpu.memory_space<hbm>>, %arg12: memref<512xi32, #tpu.memory_space<hbm>>, %arg13: memref<512xi32, #tpu.memory_space<hbm>>, %arg14: memref<512xi32, #tpu.memory_space<vmem>>, %arg15: memref<256xi32, #tpu.memory_space<vmem>>, %arg16: memref<128xi32, #tpu.memory_space<vmem>>, %arg17: memref<8192xi32, #tpu.memory_space<vmem>>, %arg18: memref<2048xi32, #tpu.memory_space<vmem>>, %arg19: memref<512xi32, #tpu.memory_space<vmem>>, %arg20: memref<512xi32, #tpu.memory_space<vmem>>, %arg21: memref<512xi32, #tpu.memory_space<vmem>>, %arg22: memref<128xi32, #tpu.memory_space<vmem>>, %arg23: memref<128xi32, #tpu.memory_space<vmem>>, %arg24: memref<32xi32, #tpu.memory_space<vmem>>, %arg25: memref<32xi32, #tpu.memory_space<vmem>>, %arg26: memref<!tpu.dma_semaphore, #tpu.memory_space<semaphore_mem>>, %arg27: memref<!tpu.dma_semaphore, #tpu.memory_space<semaphore_mem>>) attributes {dimension_semantics = [#tpu.dimension_semantics<core_parallel>, #tpu.dimension_semantics<subcore_parallel>], iteration_bounds = array<i64: 2, 16>, scalar_prefetch = 0 : i64, scratch_operands = 14 : i64, tpu.core_type = #tpu.core_type<sc_vector_subcore>, window_params = [{transform_indices = #map}, {transform_indices = #map}, {transform_indices = #map}, {transform_indices = #map}, {transform_indices = #map}, {transform_indices = #map}, {transform_indices = #map}, {transform_indices = #map}, {transform_indices = #map}, {transform_indices = #map}, {transform_indices = #map}, {transform_indices = #map}]} {
    %eq3A = arith.constant 0 : i32
    %eq3A_0 = arith.cmpi eq, %arg0, %eq3A : i32
    %convert_element_type3A = arith.extui %eq3A_0 : i1 to i32
    %cond3A = arith.constant 0 : i32
    %cond3A_1 = arith.cmpi ne, %convert_element_type3A, %cond3A : i32
    scf.if %cond3A_1 {
      tpu.enqueue_dma source(%arg3 : memref<512xi32, #tpu.memory_space<hbm>>) target(%arg14 : memref<512xi32, #tpu.memory_space<vmem>>) target_semaphore(%arg26 : memref<!tpu.dma_semaphore, #tpu.memory_space<semaphore_mem>>)
      tpu.enqueue_dma source(%arg2 : memref<8192xi32, #tpu.memory_space<hbm>>) target(%arg17 : memref<8192xi32, #tpu.memory_space<vmem>>) target_semaphore(%arg26 : memref<!tpu.dma_semaphore, #tpu.memory_space<semaphore_mem>>)
      tpu.wait_dma2 semaphore(%arg26 : memref<!tpu.dma_semaphore, #tpu.memory_space<semaphore_mem>>) src(%arg3 : memref<512xi32, #tpu.memory_space<hbm>>) dst(%arg14 : memref<512xi32, #tpu.memory_space<vmem>>)
      tpu.wait_dma2 semaphore(%arg26 : memref<!tpu.dma_semaphore, #tpu.memory_space<semaphore_mem>>) src(%arg2 : memref<8192xi32, #tpu.memory_space<hbm>>) dst(%arg17 : memref<8192xi32, #tpu.memory_space<vmem>>)
      %mul3A = arith.constant 512 : i32
      %mul3A_7 = arith.muli %arg1, %mul3A : i32
      %add3A = arith.constant 512 : i32
      %add3A_8 = arith.addi %mul3A_7, %add3A : i32
      %iota3A = tpu.iota {dimensions = array<i32: 0>} : vector<16xi32>
      %shift_right_arithmetic3A = arith.constant 2 : i32
      %shift_right_arithmetic3A_9 = vector.broadcast %shift_right_arithmetic3A : i32 to vector<16xi32>
      %shift_right_arithmetic3A_10 = arith.shrsi %iota3A, %shift_right_arithmetic3A_9 : vector<16xi32>
      %parallel_loop3A = arith.constant 0 : i32
      %parallel_loop3A_11 = arith.constant 512 : i32
      %parallel_loop3A_12 = arith.constant 1 : i32
      scf.for %parallel_loop3A_19 = %parallel_loop3A to %parallel_loop3A_11 step %parallel_loop3A_12  : i32 {
        %parallel_loop3A_20 = arith.constant 16 : i32
        %parallel_loop3A_21 = arith.muli %parallel_loop3A_19, %parallel_loop3A_20 : i32
        %parallel_loop3A_22 = arith.index_cast %parallel_loop3A_21 : i32 to index
        %parallel_loop3A_23 = tpu.vector_load %arg17[%parallel_loop3A_22] {strides = array<i32>} : memref<8192xi32, #tpu.memory_space<vmem>>, vector<16xi32>,
        %parallel_loop3A_24 = arith.constant 1023 : i32
        %parallel_loop3A_25 = vector.broadcast %parallel_loop3A_24 : i32 to vector<16xi32>
        %parallel_loop3A_26 = arith.andi %parallel_loop3A_23, %parallel_loop3A_25 : vector<16xi32>
        %parallel_loop3A_27 = arith.constant 10 : i32
        %parallel_loop3A_28 = vector.broadcast %parallel_loop3A_27 : i32 to vector<16xi32>
        %parallel_loop3A_29 = arith.shrsi %parallel_loop3A_23, %parallel_loop3A_28 : vector<16xi32>
        %parallel_loop3A_30 = tpu.vector_load_idx %arg14[%parallel_loop3A_26] : memref<512xi32, #tpu.memory_space<vmem>>[vector<16xi32>], vector<16xi32>,
        %parallel_loop3A_31 = arith.addi %parallel_loop3A_30, %parallel_loop3A_29 : vector<16xi32>
        %parallel_loop3A_32 = vector.broadcast %mul3A_7 : i32 to vector<16xi32>
        %parallel_loop3A_33 = arith.cmpi sge, %parallel_loop3A_31, %parallel_loop3A_32 : vector<16xi32>
        %parallel_loop3A_34 = vector.broadcast %add3A_8 : i32 to vector<16xi32>
        %parallel_loop3A_35 = arith.cmpi slt, %parallel_loop3A_31, %parallel_loop3A_34 : vector<16xi32>
        %parallel_loop3A_36 = arith.andi %parallel_loop3A_33, %parallel_loop3A_35 : vector<16xi1>
        %parallel_loop3A_37 = arith.constant 4 : i32
        %parallel_loop3A_38 = arith.muli %parallel_loop3A_19, %parallel_loop3A_37 : i32
        %parallel_loop3A_39 = vector.broadcast %parallel_loop3A_38 : i32 to vector<16xi32>
        %parallel_loop3A_40 = arith.addi %parallel_loop3A_39, %shift_right_arithmetic3A_10 : vector<16xi32>
        %parallel_loop3A_41 = vector.broadcast %mul3A_7 : i32 to vector<16xi32>
        %parallel_loop3A_42 = arith.subi %parallel_loop3A_31, %parallel_loop3A_41 : vector<16xi32>
        tpu.vector_store_idx %arg20[%parallel_loop3A_42], %parallel_loop3A_40 masked %parallel_loop3A_36 : memref<512xi32, #tpu.memory_space<vmem>>[vector<16xi32>], vector<16xi32>, vector<16xi1>
        %parallel_loop3A_43 = vector.broadcast %mul3A_7 : i32 to vector<16xi32>
        %parallel_loop3A_44 = arith.subi %parallel_loop3A_31, %parallel_loop3A_43 : vector<16xi32>
        tpu.vector_store_idx %arg21[%parallel_loop3A_44], %parallel_loop3A_26 masked %parallel_loop3A_36 : memref<512xi32, #tpu.memory_space<vmem>>[vector<16xi32>], vector<16xi32>, vector<16xi1>
      } {sc.loop_unroll_factor = 8 : i64, sc.parallel_access}
      %dma_start3A = tpu.memref_slice %arg8[%mul3A_7] : memref<8192xi32, #tpu.memory_space<hbm>> -> memref<512xi32, #tpu.memory_space<hbm>>
      %dma_start3A_13 = tpu.memref_slice %arg8[%mul3A_7] : memref<8192xi32, #tpu.memory_space<hbm>> -> memref<512xi32, #tpu.memory_space<hbm>>
      tpu.enqueue_dma source(%arg20 : memref<512xi32, #tpu.memory_space<vmem>>) target(%dma_start3A_13 : memref<512xi32, #tpu.memory_space<hbm>>) target_semaphore(%arg27 : memref<!tpu.dma_semaphore, #tpu.memory_space<semaphore_mem>>)
      %dma_start3A_14 = tpu.memref_slice %arg9[%mul3A_7] : memref<8192xi32, #tpu.memory_space<hbm>> -> memref<512xi32, #tpu.memory_space<hbm>>
      %dma_start3A_15 = tpu.memref_slice %arg9[%mul3A_7] : memref<8192xi32, #tpu.memory_space<hbm>> -> memref<512xi32, #tpu.memory_space<hbm>>
      tpu.enqueue_dma source(%arg21 : memref<512xi32, #tpu.memory_space<vmem>>) target(%dma_start3A_15 : memref<512xi32, #tpu.memory_space<hbm>>) target_semaphore(%arg27 : memref<!tpu.dma_semaphore, #tpu.memory_space<semaphore_mem>>)
      %dma_wait3A = tpu.memref_slice %arg8[%mul3A_7] : memref<8192xi32, #tpu.memory_space<hbm>> -> memref<512xi32, #tpu.memory_space<hbm>>
      %dma_wait3A_16 = tpu.memref_slice %arg8[%mul3A_7] : memref<8192xi32, #tpu.memory_space<hbm>> -> memref<512xi32, #tpu.memory_space<hbm>>
      tpu.wait_dma2 semaphore(%arg27 : memref<!tpu.dma_semaphore, #tpu.memory_space<semaphore_mem>>) src(%arg20 : memref<512xi32, #tpu.memory_space<vmem>>) dst(%dma_wait3A_16 : memref<512xi32, #tpu.memory_space<hbm>>)
      %dma_wait3A_17 = tpu.memref_slice %arg9[%mul3A_7] : memref<8192xi32, #tpu.memory_space<hbm>> -> memref<512xi32, #tpu.memory_space<hbm>>
      %dma_wait3A_18 = tpu.memref_slice %arg9[%mul3A_7] : memref<8192xi32, #tpu.memory_space<hbm>> -> memref<512xi32, #tpu.memory_space<hbm>>
      tpu.wait_dma2 semaphore(%arg27 : memref<!tpu.dma_semaphore, #tpu.memory_space<semaphore_mem>>) src(%arg21 : memref<512xi32, #tpu.memory_space<vmem>>) dst(%dma_wait3A_18 : memref<512xi32, #tpu.memory_space<hbm>>)
    } else {
    }
    %eq3A_2 = arith.constant 1 : i32
    %eq3A_3 = arith.cmpi eq, %arg0, %eq3A_2 : i32
    %convert_element_type3A_4 = arith.extui %eq3A_3 : i1 to i32
    %cond3A_5 = arith.constant 0 : i32
    %cond3A_6 = arith.cmpi ne, %convert_element_type3A_4, %cond3A_5 : i32
    scf.if %cond3A_6 {
      tpu.enqueue_dma source(%arg5 : memref<256xi32, #tpu.memory_space<hbm>>) target(%arg15 : memref<256xi32, #tpu.memory_space<vmem>>) target_semaphore(%arg26 : memref<!tpu.dma_semaphore, #tpu.memory_space<semaphore_mem>>)
      tpu.enqueue_dma source(%arg7 : memref<128xi32, #tpu.memory_space<hbm>>) target(%arg16 : memref<128xi32, #tpu.memory_space<vmem>>) target_semaphore(%arg26 : memref<!tpu.dma_semaphore, #tpu.memory_space<semaphore_mem>>)
      tpu.enqueue_dma source(%arg4 : memref<2048xi32, #tpu.memory_space<hbm>>) target(%arg18 : memref<2048xi32, #tpu.memory_space<vmem>>) target_semaphore(%arg26 : memref<!tpu.dma_semaphore, #tpu.memory_space<semaphore_mem>>)
      tpu.enqueue_dma source(%arg6 : memref<512xi32, #tpu.memory_space<hbm>>) target(%arg19 : memref<512xi32, #tpu.memory_space<vmem>>) target_semaphore(%arg26 : memref<!tpu.dma_semaphore, #tpu.memory_space<semaphore_mem>>)
      tpu.wait_dma2 semaphore(%arg26 : memref<!tpu.dma_semaphore, #tpu.memory_space<semaphore_mem>>) src(%arg5 : memref<256xi32, #tpu.memory_space<hbm>>) dst(%arg15 : memref<256xi32, #tpu.memory_space<vmem>>)
      tpu.wait_dma2 semaphore(%arg26 : memref<!tpu.dma_semaphore, #tpu.memory_space<semaphore_mem>>) src(%arg7 : memref<128xi32, #tpu.memory_space<hbm>>) dst(%arg16 : memref<128xi32, #tpu.memory_space<vmem>>)
      tpu.wait_dma2 semaphore(%arg26 : memref<!tpu.dma_semaphore, #tpu.memory_space<semaphore_mem>>) src(%arg4 : memref<2048xi32, #tpu.memory_space<hbm>>) dst(%arg18 : memref<2048xi32, #tpu.memory_space<vmem>>)
      tpu.wait_dma2 semaphore(%arg26 : memref<!tpu.dma_semaphore, #tpu.memory_space<semaphore_mem>>) src(%arg6 : memref<512xi32, #tpu.memory_space<hbm>>) dst(%arg19 : memref<512xi32, #tpu.memory_space<vmem>>)
      %mul3A = arith.constant 128 : i32
      %mul3A_7 = arith.muli %arg1, %mul3A : i32
      %mul3A_8 = arith.constant 32 : i32
      %mul3A_9 = arith.muli %arg1, %mul3A_8 : i32
      %add3A = arith.constant 128 : i32
      %add3A_10 = arith.addi %mul3A_7, %add3A : i32
      %iota3A = tpu.iota {dimensions = array<i32: 0>} : vector<16xi32>
      %shift_right_arithmetic3A = arith.constant 2 : i32
      %shift_right_arithmetic3A_11 = vector.broadcast %shift_right_arithmetic3A : i32 to vector<16xi32>
      %shift_right_arithmetic3A_12 = arith.shrsi %iota3A, %shift_right_arithmetic3A_11 : vector<16xi32>
      %parallel_loop3A = arith.constant 0 : i32
      %parallel_loop3A_13 = arith.constant 128 : i32
      %parallel_loop3A_14 = arith.constant 1 : i32
      scf.for %parallel_loop3A_38 = %parallel_loop3A to %parallel_loop3A_13 step %parallel_loop3A_14  : i32 {
        %parallel_loop3A_39 = arith.constant 16 : i32
        %parallel_loop3A_40 = arith.muli %parallel_loop3A_38, %parallel_loop3A_39 : i32
        %parallel_loop3A_41 = arith.index_cast %parallel_loop3A_40 : i32 to index
        %parallel_loop3A_42 = tpu.vector_load %arg18[%parallel_loop3A_41] {strides = array<i32>} : memref<2048xi32, #tpu.memory_space<vmem>>, vector<16xi32>,
        %parallel_loop3A_43 = arith.constant 1023 : i32
        %parallel_loop3A_44 = vector.broadcast %parallel_loop3A_43 : i32 to vector<16xi32>
        %parallel_loop3A_45 = arith.andi %parallel_loop3A_42, %parallel_loop3A_44 : vector<16xi32>
        %parallel_loop3A_46 = arith.constant 10 : i32
        %parallel_loop3A_47 = vector.broadcast %parallel_loop3A_46 : i32 to vector<16xi32>
        %parallel_loop3A_48 = arith.shrsi %parallel_loop3A_42, %parallel_loop3A_47 : vector<16xi32>
        %parallel_loop3A_49 = tpu.vector_load_idx %arg15[%parallel_loop3A_45] : memref<256xi32, #tpu.memory_space<vmem>>[vector<16xi32>], vector<16xi32>,
        %parallel_loop3A_50 = arith.addi %parallel_loop3A_49, %parallel_loop3A_48 : vector<16xi32>
        %parallel_loop3A_51 = vector.broadcast %mul3A_7 : i32 to vector<16xi32>
        %parallel_loop3A_52 = arith.cmpi sge, %parallel_loop3A_50, %parallel_loop3A_51 : vector<16xi32>
        %parallel_loop3A_53 = vector.broadcast %add3A_10 : i32 to vector<16xi32>
        %parallel_loop3A_54 = arith.cmpi slt, %parallel_loop3A_50, %parallel_loop3A_53 : vector<16xi32>
        %parallel_loop3A_55 = arith.andi %parallel_loop3A_52, %parallel_loop3A_54 : vector<16xi1>
        %parallel_loop3A_56 = arith.constant 4 : i32
        %parallel_loop3A_57 = arith.muli %parallel_loop3A_38, %parallel_loop3A_56 : i32
        %parallel_loop3A_58 = vector.broadcast %parallel_loop3A_57 : i32 to vector<16xi32>
        %parallel_loop3A_59 = arith.addi %parallel_loop3A_58, %shift_right_arithmetic3A_12 : vector<16xi32>
        %parallel_loop3A_60 = vector.broadcast %mul3A_7 : i32 to vector<16xi32>
        %parallel_loop3A_61 = arith.subi %parallel_loop3A_50, %parallel_loop3A_60 : vector<16xi32>
        tpu.vector_store_idx %arg22[%parallel_loop3A_61], %parallel_loop3A_59 masked %parallel_loop3A_55 : memref<128xi32, #tpu.memory_space<vmem>>[vector<16xi32>], vector<16xi32>, vector<16xi1>
        %parallel_loop3A_62 = vector.broadcast %mul3A_7 : i32 to vector<16xi32>
        %parallel_loop3A_63 = arith.subi %parallel_loop3A_50, %parallel_loop3A_62 : vector<16xi32>
        tpu.vector_store_idx %arg23[%parallel_loop3A_63], %parallel_loop3A_45 masked %parallel_loop3A_55 : memref<128xi32, #tpu.memory_space<vmem>>[vector<16xi32>], vector<16xi32>, vector<16xi1>
      } {sc.loop_unroll_factor = 8 : i64, sc.parallel_access}
      %dma_start3A = tpu.memref_slice %arg10[%mul3A_7] : memref<2048xi32, #tpu.memory_space<hbm>> -> memref<128xi32, #tpu.memory_space<hbm>>
      %dma_start3A_15 = tpu.memref_slice %arg10[%mul3A_7] : memref<2048xi32, #tpu.memory_space<hbm>> -> memref<128xi32, #tpu.memory_space<hbm>>
      tpu.enqueue_dma source(%arg22 : memref<128xi32, #tpu.memory_space<vmem>>) target(%dma_start3A_15 : memref<128xi32, #tpu.memory_space<hbm>>) target_semaphore(%arg27 : memref<!tpu.dma_semaphore, #tpu.memory_space<semaphore_mem>>)
      %dma_start3A_16 = tpu.memref_slice %arg11[%mul3A_7] : memref<2048xi32, #tpu.memory_space<hbm>> -> memref<128xi32, #tpu.memory_space<hbm>>
      %dma_start3A_17 = tpu.memref_slice %arg11[%mul3A_7] : memref<2048xi32, #tpu.memory_space<hbm>> -> memref<128xi32, #tpu.memory_space<hbm>>
      tpu.enqueue_dma source(%arg23 : memref<128xi32, #tpu.memory_space<vmem>>) target(%dma_start3A_17 : memref<128xi32, #tpu.memory_space<hbm>>) target_semaphore(%arg27 : memref<!tpu.dma_semaphore, #tpu.memory_space<semaphore_mem>>)
      %add3A_18 = arith.constant 32 : i32
      %add3A_19 = arith.addi %mul3A_9, %add3A_18 : i32
      %iota3A_20 = tpu.iota {dimensions = array<i32: 0>} : vector<16xi32>
      %shift_right_arithmetic3A_21 = arith.constant 2 : i32
      %shift_right_arithmetic3A_22 = vector.broadcast %shift_right_arithmetic3A_21 : i32 to vector<16xi32>
      %shift_right_arithmetic3A_23 = arith.shrsi %iota3A_20, %shift_right_arithmetic3A_22 : vector<16xi32>
      %parallel_loop3A_24 = arith.constant 0 : i32
      %parallel_loop3A_25 = arith.constant 32 : i32
      %parallel_loop3A_26 = arith.constant 1 : i32
      scf.for %parallel_loop3A_38 = %parallel_loop3A_24 to %parallel_loop3A_25 step %parallel_loop3A_26  : i32 {
        %parallel_loop3A_39 = arith.constant 16 : i32
        %parallel_loop3A_40 = arith.muli %parallel_loop3A_38, %parallel_loop3A_39 : i32
        %parallel_loop3A_41 = arith.index_cast %parallel_loop3A_40 : i32 to index
        %parallel_loop3A_42 = tpu.vector_load %arg19[%parallel_loop3A_41] {strides = array<i32>} : memref<512xi32, #tpu.memory_space<vmem>>, vector<16xi32>,
        %parallel_loop3A_43 = arith.constant 1023 : i32
        %parallel_loop3A_44 = vector.broadcast %parallel_loop3A_43 : i32 to vector<16xi32>
        %parallel_loop3A_45 = arith.andi %parallel_loop3A_42, %parallel_loop3A_44 : vector<16xi32>
        %parallel_loop3A_46 = arith.constant 10 : i32
        %parallel_loop3A_47 = vector.broadcast %parallel_loop3A_46 : i32 to vector<16xi32>
        %parallel_loop3A_48 = arith.shrsi %parallel_loop3A_42, %parallel_loop3A_47 : vector<16xi32>
        %parallel_loop3A_49 = tpu.vector_load_idx %arg16[%parallel_loop3A_45] : memref<128xi32, #tpu.memory_space<vmem>>[vector<16xi32>], vector<16xi32>,
        %parallel_loop3A_50 = arith.addi %parallel_loop3A_49, %parallel_loop3A_48 : vector<16xi32>
        %parallel_loop3A_51 = vector.broadcast %mul3A_9 : i32 to vector<16xi32>
        %parallel_loop3A_52 = arith.cmpi sge, %parallel_loop3A_50, %parallel_loop3A_51 : vector<16xi32>
        %parallel_loop3A_53 = vector.broadcast %add3A_19 : i32 to vector<16xi32>
        %parallel_loop3A_54 = arith.cmpi slt, %parallel_loop3A_50, %parallel_loop3A_53 : vector<16xi32>
        %parallel_loop3A_55 = arith.andi %parallel_loop3A_52, %parallel_loop3A_54 : vector<16xi1>
        %parallel_loop3A_56 = arith.constant 4 : i32
        %parallel_loop3A_57 = arith.muli %parallel_loop3A_38, %parallel_loop3A_56 : i32
        %parallel_loop3A_58 = vector.broadcast %parallel_loop3A_57 : i32 to vector<16xi32>
        %parallel_loop3A_59 = arith.addi %parallel_loop3A_58, %shift_right_arithmetic3A_23 : vector<16xi32>
        %parallel_loop3A_60 = vector.broadcast %mul3A_9 : i32 to vector<16xi32>
        %parallel_loop3A_61 = arith.subi %parallel_loop3A_50, %parallel_loop3A_60 : vector<16xi32>
        tpu.vector_store_idx %arg24[%parallel_loop3A_61], %parallel_loop3A_59 masked %parallel_loop3A_55 : memref<32xi32, #tpu.memory_space<vmem>>[vector<16xi32>], vector<16xi32>, vector<16xi1>
        %parallel_loop3A_62 = vector.broadcast %mul3A_9 : i32 to vector<16xi32>
        %parallel_loop3A_63 = arith.subi %parallel_loop3A_50, %parallel_loop3A_62 : vector<16xi32>
        tpu.vector_store_idx %arg25[%parallel_loop3A_63], %parallel_loop3A_45 masked %parallel_loop3A_55 : memref<32xi32, #tpu.memory_space<vmem>>[vector<16xi32>], vector<16xi32>, vector<16xi1>
      } {sc.loop_unroll_factor = 8 : i64, sc.parallel_access}
      %dma_start3A_27 = tpu.memref_slice %arg12[%mul3A_9] : memref<512xi32, #tpu.memory_space<hbm>> -> memref<32xi32, #tpu.memory_space<hbm>>
      %dma_start3A_28 = tpu.memref_slice %arg12[%mul3A_9] : memref<512xi32, #tpu.memory_space<hbm>> -> memref<32xi32, #tpu.memory_space<hbm>>
      tpu.enqueue_dma source(%arg24 : memref<32xi32, #tpu.memory_space<vmem>>) target(%dma_start3A_28 : memref<32xi32, #tpu.memory_space<hbm>>) target_semaphore(%arg27 : memref<!tpu.dma_semaphore, #tpu.memory_space<semaphore_mem>>)
      %dma_start3A_29 = tpu.memref_slice %arg13[%mul3A_9] : memref<512xi32, #tpu.memory_space<hbm>> -> memref<32xi32, #tpu.memory_space<hbm>>
      %dma_start3A_30 = tpu.memref_slice %arg13[%mul3A_9] : memref<512xi32, #tpu.memory_space<hbm>> -> memref<32xi32, #tpu.memory_space<hbm>>
      tpu.enqueue_dma source(%arg25 : memref<32xi32, #tpu.memory_space<vmem>>) target(%dma_start3A_30 : memref<32xi32, #tpu.memory_space<hbm>>) target_semaphore(%arg27 : memref<!tpu.dma_semaphore, #tpu.memory_space<semaphore_mem>>)
      %dma_wait3A = tpu.memref_slice %arg10[%mul3A_7] : memref<2048xi32, #tpu.memory_space<hbm>> -> memref<128xi32, #tpu.memory_space<hbm>>
      %dma_wait3A_31 = tpu.memref_slice %arg10[%mul3A_7] : memref<2048xi32, #tpu.memory_space<hbm>> -> memref<128xi32, #tpu.memory_space<hbm>>
      tpu.wait_dma2 semaphore(%arg27 : memref<!tpu.dma_semaphore, #tpu.memory_space<semaphore_mem>>) src(%arg22 : memref<128xi32, #tpu.memory_space<vmem>>) dst(%dma_wait3A_31 : memref<128xi32, #tpu.memory_space<hbm>>)
      %dma_wait3A_32 = tpu.memref_slice %arg11[%mul3A_7] : memref<2048xi32, #tpu.memory_space<hbm>> -> memref<128xi32, #tpu.memory_space<hbm>>
      %dma_wait3A_33 = tpu.memref_slice %arg11[%mul3A_7] : memref<2048xi32, #tpu.memory_space<hbm>> -> memref<128xi32, #tpu.memory_space<hbm>>
      tpu.wait_dma2 semaphore(%arg27 : memref<!tpu.dma_semaphore, #tpu.memory_space<semaphore_mem>>) src(%arg23 : memref<128xi32, #tpu.memory_space<vmem>>) dst(%dma_wait3A_33 : memref<128xi32, #tpu.memory_space<hbm>>)
      %dma_wait3A_34 = tpu.memref_slice %arg12[%mul3A_9] : memref<512xi32, #tpu.memory_space<hbm>> -> memref<32xi32, #tpu.memory_space<hbm>>
      %dma_wait3A_35 = tpu.memref_slice %arg12[%mul3A_9] : memref<512xi32, #tpu.memory_space<hbm>> -> memref<32xi32, #tpu.memory_space<hbm>>
      tpu.wait_dma2 semaphore(%arg27 : memref<!tpu.dma_semaphore, #tpu.memory_space<semaphore_mem>>) src(%arg24 : memref<32xi32, #tpu.memory_space<vmem>>) dst(%dma_wait3A_35 : memref<32xi32, #tpu.memory_space<hbm>>)
      %dma_wait3A_36 = tpu.memref_slice %arg13[%mul3A_9] : memref<512xi32, #tpu.memory_space<hbm>> -> memref<32xi32, #tpu.memory_space<hbm>>
      %dma_wait3A_37 = tpu.memref_slice %arg13[%mul3A_9] : memref<512xi32, #tpu.memory_space<hbm>> -> memref<32xi32, #tpu.memory_space<hbm>>
      tpu.wait_dma2 semaphore(%arg27 : memref<!tpu.dma_semaphore, #tpu.memory_space<semaphore_mem>>) src(%arg25 : memref<32xi32, #tpu.memory_space<vmem>>) dst(%dma_wait3A_37 : memref<32xi32, #tpu.memory_space<hbm>>)
    } else {
    }
    return
  }
}

module attributes {stable_mosaic.version = 14 : i64} {
  func.func @_tc_all_body(%arg0: i32, %arg1: memref<1x1xf32, #tpu.memory_space<smem>>, %arg2: memref<1x1xf32, #tpu.memory_space<smem>>, %arg3: memref<512x1024xf32, #tpu.memory_space<vmem>>, %arg4: memref<512x1024xf32, #tpu.memory_space<vmem>>, %arg5: memref<128x1024xf32, #tpu.memory_space<vmem>>, %arg6: memref<512x1024xf32, #tpu.memory_space<vmem>>, %arg7: memref<256x1024xf32, #tpu.memory_space<vmem>>, %arg8: memref<128x1024xf32, #tpu.memory_space<vmem>>, %arg9: memref<512x512xf32, #tpu.memory_space<vmem>>, %arg10: memref<256x256xf32, #tpu.memory_space<vmem>>, %arg11: memref<128x128xf32, #tpu.memory_space<vmem>>, %arg12: memref<1x512xf32, #tpu.memory_space<vmem>>, %arg13: memref<1x256xf32, #tpu.memory_space<vmem>>, %arg14: memref<1x128xf32, #tpu.memory_space<vmem>>, %arg15: memref<512x4xi32, #tpu.memory_space<vmem>>, %arg16: memref<1x512xi32, #tpu.memory_space<vmem>>, %arg17: memref<512x4xi32, #tpu.memory_space<vmem>>, %arg18: memref<1x256xi32, #tpu.memory_space<vmem>>, %arg19: memref<128x4xi32, #tpu.memory_space<vmem>>, %arg20: memref<1x128xi32, #tpu.memory_space<vmem>>, %arg21: memref<1x512xf32, #tpu.memory_space<vmem>>, %arg22: memref<512x1024xf32, #tpu.memory_space<vmem>>) attributes {dimension_semantics = [#tpu.dimension_semantics<arbitrary>], iteration_bounds = array<i64: 6>, scalar_prefetch = 0 : i64, scratch_operands = 2 : i64, tpu.core_type = #tpu.core_type<tc>, window_params = [{transform_indices = @transform_0, window_bounds = array<i64: 1, 1>}, {transform_indices = @transform_1, window_bounds = array<i64: 1, 1>}, {transform_indices = @transform_2, window_bounds = array<i64: 512, 1024>}, {pipeline_mode = #tpu.pipeline_mode<synchronous>, transform_indices = @transform_3, window_bounds = array<i64: 512, 1024>}, {pipeline_mode = #tpu.pipeline_mode<synchronous>, transform_indices = @transform_4, window_bounds = array<i64: 128, 1024>}, {pipeline_mode = #tpu.pipeline_mode<synchronous>, transform_indices = @transform_5, window_bounds = array<i64: 512, 1024>}, {pipeline_mode = #tpu.pipeline_mode<synchronous>, transform_indices = @transform_6, window_bounds = array<i64: 256, 1024>}, {pipeline_mode = #tpu.pipeline_mode<synchronous>, transform_indices = @transform_7, window_bounds = array<i64: 128, 1024>}, {pipeline_mode = #tpu.pipeline_mode<synchronous>, transform_indices = @transform_8, window_bounds = array<i64: 512, 512>}, {pipeline_mode = #tpu.pipeline_mode<synchronous>, transform_indices = @transform_9, window_bounds = array<i64: 256, 256>}, {pipeline_mode = #tpu.pipeline_mode<synchronous>, transform_indices = @transform_10, window_bounds = array<i64: 128, 128>}, {pipeline_mode = #tpu.pipeline_mode<synchronous>, transform_indices = @transform_11, window_bounds = array<i64: 1, 512>}, {pipeline_mode = #tpu.pipeline_mode<synchronous>, transform_indices = @transform_12, window_bounds = array<i64: 1, 256>}, {pipeline_mode = #tpu.pipeline_mode<synchronous>, transform_indices = @transform_13, window_bounds = array<i64: 1, 128>}, {transform_indices = @transform_14, window_bounds = array<i64: 512, 4>}, {pipeline_mode = #tpu.pipeline_mode<synchronous>, transform_indices = @transform_15, window_bounds = array<i64: 1, 512>}, {pipeline_mode = #tpu.pipeline_mode<synchronous>, transform_indices = @transform_16, window_bounds = array<i64: 512, 4>}, {pipeline_mode = #tpu.pipeline_mode<synchronous>, transform_indices = @transform_17, window_bounds = array<i64: 1, 256>}, {pipeline_mode = #tpu.pipeline_mode<synchronous>, transform_indices = @transform_18, window_bounds = array<i64: 128, 4>}, {pipeline_mode = #tpu.pipeline_mode<synchronous>, transform_indices = @transform_19, window_bounds = array<i64: 1, 128>}]} {
    %get3A = arith.constant 0 : index
    %get3A_0 = arith.constant 0 : index
    %get3A_1 = memref.load %arg1[%get3A, %get3A_0] : memref<1x1xf32, #tpu.memory_space<smem>>
    %get3A_2 = arith.constant 0 : index
    %get3A_3 = arith.constant 0 : index
    %get3A_4 = memref.load %arg2[%get3A_2, %get3A_3] : memref<1x1xf32, #tpu.memory_space<smem>>
    %lt3A = arith.constant 4 : i32
    %lt3A_5 = arith.cmpi slt, %arg0, %lt3A : i32
    %convert_element_type3A = arith.extui %lt3A_5 : i1 to i32
    %cond3A = arith.constant 0 : i32
    %cond3A_6 = arith.cmpi ne, %convert_element_type3A, %cond3A : i32
    scf.if %cond3A_6 {
      %eq3A_16 = arith.constant 0 : i32
      %eq3A_17 = arith.cmpi eq, %arg0, %eq3A_16 : i32
      %convert_element_type3A_18 = arith.extui %eq3A_17 : i1 to i32
      %cond3A_19 = arith.constant 0 : i32
      %cond3A_20 = arith.cmpi ne, %convert_element_type3A_18, %cond3A_19 : i32
      scf.if %cond3A_20 {
        %broadcast_in_dim3A_181 = arith.constant 0.000000e+00 : f32
        %broadcast_in_dim3A_182 = vector.broadcast %broadcast_in_dim3A_181 : f32 to vector<1x512xf32>
        %swap3A_183 = arith.constant 0 : index
        %swap3A_184 = arith.constant 0 : index
        %swap3A_185 = vector.load %arg21[%swap3A_183, %swap3A_184] : memref<1x512xf32, #tpu.memory_space<vmem>>, vector<1x512xf32>
        tpu.vector_store %arg21[%swap3A_183, %swap3A_184], %broadcast_in_dim3A_182 {strides = array<i32>} : memref<1x512xf32, #tpu.memory_space<vmem>>, vector<1x512xf32>,
        %get3A_186 = arith.constant 0 : index
        %get3A_187 = arith.constant 0 : index
        %get3A_188 = vector.load %arg6[%get3A_186, %get3A_187] : memref<512x1024xf32, #tpu.memory_space<vmem>>, vector<512x1024xf32>
        %mul3A_189 = vector.broadcast %get3A_1 : f32 to vector<512x1024xf32>
        %mul3A_190 = arith.mulf %get3A_188, %mul3A_189 : vector<512x1024xf32>
        %tanh3A_191 = math.tanh %mul3A_190 : vector<512x1024xf32>
        %swap3A_192 = arith.constant 0 : index
        %swap3A_193 = arith.constant 0 : index
        %swap3A_194 = vector.load %arg22[%swap3A_192, %swap3A_193] : memref<512x1024xf32, #tpu.memory_space<vmem>>, vector<512x1024xf32>
        tpu.vector_store %arg22[%swap3A_192, %swap3A_193], %tanh3A_191 {strides = array<i32>} : memref<512x1024xf32, #tpu.memory_space<vmem>>, vector<512x1024xf32>,
      } else {
      }
      %get3A_21 = arith.constant 0 : index
      %get3A_22 = arith.constant 0 : index
      %get3A_23 = vector.load %arg3[%get3A_21, %get3A_22] : memref<512x1024xf32, #tpu.memory_space<vmem>>, vector<512x1024xf32>
      %get3A_24 = arith.constant 0 : index
      %get3A_25 = arith.constant 0 : index
      %get3A_26 = vector.load %arg22[%get3A_24, %get3A_25] : memref<512x1024xf32, #tpu.memory_space<vmem>>, vector<512x1024xf32>
      %get3A_27 = arith.constant 0 : index
      %get3A_28 = arith.constant 0 : index
      %get3A_29 = vector.load %arg9[%get3A_27, %get3A_28] : memref<512x512xf32, #tpu.memory_space<vmem>>, vector<512x512xf32>
      %get3A_30 = arith.constant 0 : index
      %get3A_31 = arith.constant 0 : index
      %get3A_32 = vector.load %arg12[%get3A_30, %get3A_31] : memref<1x512xf32, #tpu.memory_space<vmem>>, vector<1x512xf32>
      %mul3A = vector.broadcast %get3A_4 : f32 to vector<512x1024xf32>
      %mul3A_33 = arith.mulf %get3A_23, %mul3A : vector<512x1024xf32>
      %tanh3A = math.tanh %mul3A_33 : vector<512x1024xf32>
      %dot_general3A = arith.constant dense<0.000000e+00> : vector<512x512xf32>
      %dot_general3A_34 = tpu.matmul %tanh3A, %get3A_26, %dot_general3A {dimension_numbers = #tpu.dot_dimension_numbers<[1], [1], [0], [0], [0, 0, 1, 0], [], []>, transpose_lhs_hint = false} : vector<512x1024xf32>, vector<512x1024xf32>, vector<512x512xf32> -> vector<512x512xf32>
      %max3A = arith.constant 0.000000e+00 : f32
      %max3A_35 = vector.broadcast %max3A : f32 to vector<512x512xf32>
      %max3A_36 = arith.maximumf %dot_general3A_34, %max3A_35 : vector<512x512xf32>
      %dot_general3A_37 = arith.constant dense<0.000000e+00> : vector<512x512xf32>
      %dot_general3A_38 = tpu.matmul %max3A_36, %get3A_29, %dot_general3A_37 {dimension_numbers = #tpu.dot_dimension_numbers<[1], [1], [0], [0], [0, 0, 1, 0], [], []>, transpose_lhs_hint = false} : vector<512x512xf32>, vector<512x512xf32>, vector<512x512xf32> -> vector<512x512xf32>
      %add3A = vector.broadcast %get3A_32 : vector<1x512xf32> to vector<512x512xf32>
      %add3A_39 = arith.addf %dot_general3A_38, %add3A : vector<512x512xf32>
      %get3A_40 = arith.constant 0 : index
      %get3A_41 = arith.constant 0 : index
      %get3A_42 = vector.load %arg21[%get3A_40, %get3A_41] : memref<1x512xf32, #tpu.memory_space<vmem>>, vector<1x512xf32>
      %iota3A = tpu.iota {dimensions = array<i32: 1>} : vector<512x512xi32>
      %broadcast_in_dim3A = arith.constant 0.000000e+00 : f32
      %broadcast_in_dim3A_43 = vector.broadcast %broadcast_in_dim3A : f32 to vector<512x512xf32>
      %reduce_max3A = arith.constant dense<0xFF800000> : vector<512xf32>
      %reduce_max3A_44 = vector.multi_reduction <maximumf>, %add3A_39, %reduce_max3A [1] : vector<512x512xf32> to vector<512xf32>
      %broadcast_in_dim3A_45 = vector.shape_cast %reduce_max3A_44 : vector<512xf32> to vector<512x1xf32>
      %eq3A_46 = vector.broadcast %broadcast_in_dim3A_45 : vector<512x1xf32> to vector<512x512xf32>
      %eq3A_47 = arith.cmpf oeq, %add3A_39, %eq3A_46 : vector<512x512xf32>
      %jit3A = arith.constant 512 : i32
      %broadcast_in_dim3A_48 = vector.broadcast %jit3A : i32 to vector<512x512xi32>
      %select_n3A = arith.select %eq3A_47, %iota3A, %broadcast_in_dim3A_48 : vector<512x512xi1>, vector<512x512xi32>
      %reduce_min3A = arith.constant dense<2147483647> : vector<512xi32>
      %reduce_min3A_49 = vector.multi_reduction <minsi>, %select_n3A, %reduce_min3A [1] : vector<512x512xi32> to vector<512xi32>
      %broadcast_in_dim3A_50 = vector.shape_cast %reduce_min3A_49 : vector<512xi32> to vector<512x1xi32>
      %eq3A_51 = vector.broadcast %broadcast_in_dim3A_50 : vector<512x1xi32> to vector<512x512xi32>
      %eq3A_52 = arith.cmpi eq, %iota3A, %eq3A_51 : vector<512x512xi32>
      %convert_element_type3A_53 = arith.extui %eq3A_52 : vector<512x512xi1> to vector<512x512xi32>
      %convert_element_type3A_54 = arith.sitofp %convert_element_type3A_53 : vector<512x512xi32> to vector<512x512xf32>
      %add3A_55 = arith.addf %broadcast_in_dim3A_43, %convert_element_type3A_54 : vector<512x512xf32>
      %jit3A_56 = arith.constant 0xFF800000 : f32
      %broadcast_in_dim3A_57 = vector.broadcast %jit3A_56 : f32 to vector<512x512xf32>
      %select_n3A_58 = arith.select %eq3A_52, %broadcast_in_dim3A_57, %add3A_39 : vector<512x512xi1>, vector<512x512xf32>
      %reduce_max3A_59 = arith.constant dense<0xFF800000> : vector<512xf32>
      %reduce_max3A_60 = vector.multi_reduction <maximumf>, %select_n3A_58, %reduce_max3A_59 [1] : vector<512x512xf32> to vector<512xf32>
      %broadcast_in_dim3A_61 = vector.shape_cast %reduce_max3A_60 : vector<512xf32> to vector<512x1xf32>
      %eq3A_62 = vector.broadcast %broadcast_in_dim3A_61 : vector<512x1xf32> to vector<512x512xf32>
      %eq3A_63 = arith.cmpf oeq, %select_n3A_58, %eq3A_62 : vector<512x512xf32>
      %jit3A_64 = arith.constant 512 : i32
      %broadcast_in_dim3A_65 = vector.broadcast %jit3A_64 : i32 to vector<512x512xi32>
      %select_n3A_66 = arith.select %eq3A_63, %iota3A, %broadcast_in_dim3A_65 : vector<512x512xi1>, vector<512x512xi32>
      %reduce_min3A_67 = arith.constant dense<2147483647> : vector<512xi32>
      %reduce_min3A_68 = vector.multi_reduction <minsi>, %select_n3A_66, %reduce_min3A_67 [1] : vector<512x512xi32> to vector<512xi32>
      %broadcast_in_dim3A_69 = vector.shape_cast %reduce_min3A_68 : vector<512xi32> to vector<512x1xi32>
      %eq3A_70 = vector.broadcast %broadcast_in_dim3A_69 : vector<512x1xi32> to vector<512x512xi32>
      %eq3A_71 = arith.cmpi eq, %iota3A, %eq3A_70 : vector<512x512xi32>
      %convert_element_type3A_72 = arith.extui %eq3A_71 : vector<512x512xi1> to vector<512x512xi32>
      %convert_element_type3A_73 = arith.sitofp %convert_element_type3A_72 : vector<512x512xi32> to vector<512x512xf32>
      %add3A_74 = arith.addf %add3A_55, %convert_element_type3A_73 : vector<512x512xf32>
      %jit3A_75 = arith.constant 0xFF800000 : f32
      %broadcast_in_dim3A_76 = vector.broadcast %jit3A_75 : f32 to vector<512x512xf32>
      %select_n3A_77 = arith.select %eq3A_71, %broadcast_in_dim3A_76, %select_n3A_58 : vector<512x512xi1>, vector<512x512xf32>
      %reduce_max3A_78 = arith.constant dense<0xFF800000> : vector<512xf32>
      %reduce_max3A_79 = vector.multi_reduction <maximumf>, %select_n3A_77, %reduce_max3A_78 [1] : vector<512x512xf32> to vector<512xf32>
      %broadcast_in_dim3A_80 = vector.shape_cast %reduce_max3A_79 : vector<512xf32> to vector<512x1xf32>
      %eq3A_81 = vector.broadcast %broadcast_in_dim3A_80 : vector<512x1xf32> to vector<512x512xf32>
      %eq3A_82 = arith.cmpf oeq, %select_n3A_77, %eq3A_81 : vector<512x512xf32>
      %jit3A_83 = arith.constant 512 : i32
      %broadcast_in_dim3A_84 = vector.broadcast %jit3A_83 : i32 to vector<512x512xi32>
      %select_n3A_85 = arith.select %eq3A_82, %iota3A, %broadcast_in_dim3A_84 : vector<512x512xi1>, vector<512x512xi32>
      %reduce_min3A_86 = arith.constant dense<2147483647> : vector<512xi32>
      %reduce_min3A_87 = vector.multi_reduction <minsi>, %select_n3A_85, %reduce_min3A_86 [1] : vector<512x512xi32> to vector<512xi32>
      %broadcast_in_dim3A_88 = vector.shape_cast %reduce_min3A_87 : vector<512xi32> to vector<512x1xi32>
      %eq3A_89 = vector.broadcast %broadcast_in_dim3A_88 : vector<512x1xi32> to vector<512x512xi32>
      %eq3A_90 = arith.cmpi eq, %iota3A, %eq3A_89 : vector<512x512xi32>
      %convert_element_type3A_91 = arith.extui %eq3A_90 : vector<512x512xi1> to vector<512x512xi32>
      %convert_element_type3A_92 = arith.sitofp %convert_element_type3A_91 : vector<512x512xi32> to vector<512x512xf32>
      %add3A_93 = arith.addf %add3A_74, %convert_element_type3A_92 : vector<512x512xf32>
      %jit3A_94 = arith.constant 0xFF800000 : f32
      %broadcast_in_dim3A_95 = vector.broadcast %jit3A_94 : f32 to vector<512x512xf32>
      %select_n3A_96 = arith.select %eq3A_90, %broadcast_in_dim3A_95, %select_n3A_77 : vector<512x512xi1>, vector<512x512xf32>
      %reduce_max3A_97 = arith.constant dense<0xFF800000> : vector<512xf32>
      %reduce_max3A_98 = vector.multi_reduction <maximumf>, %select_n3A_96, %reduce_max3A_97 [1] : vector<512x512xf32> to vector<512xf32>
      %broadcast_in_dim3A_99 = vector.shape_cast %reduce_max3A_98 : vector<512xf32> to vector<512x1xf32>
      %eq3A_100 = vector.broadcast %broadcast_in_dim3A_99 : vector<512x1xf32> to vector<512x512xf32>
      %eq3A_101 = arith.cmpf oeq, %select_n3A_96, %eq3A_100 : vector<512x512xf32>
      %jit3A_102 = arith.constant 512 : i32
      %broadcast_in_dim3A_103 = vector.broadcast %jit3A_102 : i32 to vector<512x512xi32>
      %select_n3A_104 = arith.select %eq3A_101, %iota3A, %broadcast_in_dim3A_103 : vector<512x512xi1>, vector<512x512xi32>
      %reduce_min3A_105 = arith.constant dense<2147483647> : vector<512xi32>
      %reduce_min3A_106 = vector.multi_reduction <minsi>, %select_n3A_104, %reduce_min3A_105 [1] : vector<512x512xi32> to vector<512xi32>
      %broadcast_in_dim3A_107 = vector.shape_cast %reduce_min3A_106 : vector<512xi32> to vector<512x1xi32>
      %eq3A_108 = vector.broadcast %broadcast_in_dim3A_107 : vector<512x1xi32> to vector<512x512xi32>
      %eq3A_109 = arith.cmpi eq, %iota3A, %eq3A_108 : vector<512x512xi32>
      %convert_element_type3A_110 = arith.extui %eq3A_109 : vector<512x512xi1> to vector<512x512xi32>
      %convert_element_type3A_111 = arith.sitofp %convert_element_type3A_110 : vector<512x512xi32> to vector<512x512xf32>
      %add3A_112 = arith.addf %add3A_93, %convert_element_type3A_111 : vector<512x512xf32>
      %iota3A_113 = tpu.iota {dimensions = array<i32: 0>} : vector<512x512xi32>
      %iota3A_114 = tpu.iota {dimensions = array<i32: 1>} : vector<512x512xi32>
      %lt3A_115 = arith.cmpi slt, %iota3A_114, %iota3A_113 : vector<512x512xi32>
      %convert_element_type3A_116 = arith.extui %lt3A_115 : vector<512x512xi1> to vector<512x512xi32>
      %convert_element_type3A_117 = arith.sitofp %convert_element_type3A_116 : vector<512x512xi32> to vector<512x512xf32>
      %dot_general3A_118 = arith.constant dense<0.000000e+00> : vector<512x512xf32>
      %dot_general3A_119 = tpu.matmul %convert_element_type3A_117, %add3A_112, %dot_general3A_118 {dimension_numbers = #tpu.dot_dimension_numbers<[1], [0], [0], [1], [0, 0, 1, 1], [], []>, transpose_lhs_hint = false} : vector<512x512xf32>, vector<512x512xf32>, vector<512x512xf32> -> vector<512x512xf32>
      %add3A_120 = vector.broadcast %get3A_42 : vector<1x512xf32> to vector<512x512xf32>
      %add3A_121 = arith.addf %dot_general3A_119, %add3A_120 : vector<512x512xf32>
      %reduce_sum3A = arith.constant dense<0.000000e+00> : vector<512xf32>
      %reduce_sum3A_122 = vector.multi_reduction <add>, %add3A_112, %reduce_sum3A [0] : vector<512x512xf32> to vector<512xf32>
      %broadcast_in_dim3A_123 = vector.shape_cast %reduce_sum3A_122 : vector<512xf32> to vector<1x512xf32>
      %eq3A_124 = vector.broadcast %broadcast_in_dim3A_50 : vector<512x1xi32> to vector<512x512xi32>
      %eq3A_125 = arith.cmpi eq, %iota3A, %eq3A_124 : vector<512x512xi32>
      %jit3A_126 = arith.constant 0.000000e+00 : f32
      %broadcast_in_dim3A_127 = vector.broadcast %jit3A_126 : f32 to vector<512x512xf32>
      %select_n3A_128 = arith.select %eq3A_125, %add3A_121, %broadcast_in_dim3A_127 : vector<512x512xi1>, vector<512x512xf32>
      %reduce_sum3A_129 = arith.constant dense<0.000000e+00> : vector<512xf32>
      %reduce_sum3A_130 = vector.multi_reduction <add>, %select_n3A_128, %reduce_sum3A_129 [1] : vector<512x512xf32> to vector<512xf32>
      %broadcast_in_dim3A_131 = vector.shape_cast %reduce_sum3A_130 : vector<512xf32> to vector<512x1xf32>
      %eq3A_132 = vector.broadcast %broadcast_in_dim3A_69 : vector<512x1xi32> to vector<512x512xi32>
      %eq3A_133 = arith.cmpi eq, %iota3A, %eq3A_132 : vector<512x512xi32>
      %jit3A_134 = arith.constant 0.000000e+00 : f32
      %broadcast_in_dim3A_135 = vector.broadcast %jit3A_134 : f32 to vector<512x512xf32>
      %select_n3A_136 = arith.select %eq3A_133, %add3A_121, %broadcast_in_dim3A_135 : vector<512x512xi1>, vector<512x512xf32>
      %reduce_sum3A_137 = arith.constant dense<0.000000e+00> : vector<512xf32>
      %reduce_sum3A_138 = vector.multi_reduction <add>, %select_n3A_136, %reduce_sum3A_137 [1] : vector<512x512xf32> to vector<512xf32>
      %broadcast_in_dim3A_139 = vector.shape_cast %reduce_sum3A_138 : vector<512xf32> to vector<512x1xf32>
      %eq3A_140 = vector.broadcast %broadcast_in_dim3A_88 : vector<512x1xi32> to vector<512x512xi32>
      %eq3A_141 = arith.cmpi eq, %iota3A, %eq3A_140 : vector<512x512xi32>
      %jit3A_142 = arith.constant 0.000000e+00 : f32
      %broadcast_in_dim3A_143 = vector.broadcast %jit3A_142 : f32 to vector<512x512xf32>
      %select_n3A_144 = arith.select %eq3A_141, %add3A_121, %broadcast_in_dim3A_143 : vector<512x512xi1>, vector<512x512xf32>
      %reduce_sum3A_145 = arith.constant dense<0.000000e+00> : vector<512xf32>
      %reduce_sum3A_146 = vector.multi_reduction <add>, %select_n3A_144, %reduce_sum3A_145 [1] : vector<512x512xf32> to vector<512xf32>
      %broadcast_in_dim3A_147 = vector.shape_cast %reduce_sum3A_146 : vector<512xf32> to vector<512x1xf32>
      %eq3A_148 = vector.broadcast %broadcast_in_dim3A_107 : vector<512x1xi32> to vector<512x512xi32>
      %eq3A_149 = arith.cmpi eq, %iota3A, %eq3A_148 : vector<512x512xi32>
      %jit3A_150 = arith.constant 0.000000e+00 : f32
      %broadcast_in_dim3A_151 = vector.broadcast %jit3A_150 : f32 to vector<512x512xf32>
      %select_n3A_152 = arith.select %eq3A_149, %add3A_121, %broadcast_in_dim3A_151 : vector<512x512xi1>, vector<512x512xf32>
      %reduce_sum3A_153 = arith.constant dense<0.000000e+00> : vector<512xf32>
      %reduce_sum3A_154 = vector.multi_reduction <add>, %select_n3A_152, %reduce_sum3A_153 [1] : vector<512x512xf32> to vector<512xf32>
      %broadcast_in_dim3A_155 = vector.shape_cast %reduce_sum3A_154 : vector<512xf32> to vector<512x1xf32>
      %iota3A_156 = tpu.iota {dimensions = array<i32: 0>} : vector<512x512xi32>
      %iota3A_157 = tpu.iota {dimensions = array<i32: 1>} : vector<512x512xi32>
      %lt3A_158 = arith.cmpi slt, %iota3A_156, %iota3A_157 : vector<512x512xi32>
      %convert_element_type3A_159 = arith.extui %lt3A_158 : vector<512x512xi1> to vector<512x512xi32>
      %convert_element_type3A_160 = arith.sitofp %convert_element_type3A_159 : vector<512x512xi32> to vector<512x512xf32>
      %add3A_161 = arith.addf %get3A_42, %broadcast_in_dim3A_123 : vector<1x512xf32>
      %dot_general3A_162 = arith.constant dense<0.000000e+00> : vector<1x512xf32>
      %dot_general3A_163 = tpu.matmul %add3A_161, %convert_element_type3A_160, %dot_general3A_162 {dimension_numbers = #tpu.dot_dimension_numbers<[1], [0], [0], [1], [0, 0, 1, 1], [], []>, precision = #tpu.contract_precision<fp32>, transpose_lhs_hint = false} : vector<1x512xf32>, vector<512x512xf32>, vector<1x512xf32> -> vector<1x512xf32>
      %concatenate3A = tpu.concatenate %broadcast_in_dim3A_131, %broadcast_in_dim3A_139, %broadcast_in_dim3A_147, %broadcast_in_dim3A_155 in 1 : vector<512x1xf32>, vector<512x1xf32>, vector<512x1xf32>, vector<512x1xf32> -> vector<512x4xf32>
      %convert_element_type3A_164 = arith.fptosi %concatenate3A : vector<512x4xf32> to vector<512x4xi32>
      %shift_left3A = arith.constant 10 : i32
      %shift_left3A_165 = vector.broadcast %shift_left3A : i32 to vector<512x4xi32>
      %shift_left3A_166 = arith.shli %convert_element_type3A_164, %shift_left3A_165 : vector<512x4xi32>
      %concatenate3A_167 = tpu.concatenate %broadcast_in_dim3A_50, %broadcast_in_dim3A_69, %broadcast_in_dim3A_88, %broadcast_in_dim3A_107 in 1 : vector<512x1xi32>, vector<512x1xi32>, vector<512x1xi32>, vector<512x1xi32> -> vector<512x4xi32>
      %or3A = arith.ori %shift_left3A_166, %concatenate3A_167 : vector<512x4xi32>
      %convert_element_type3A_168 = arith.fptosi %dot_general3A_163 : vector<1x512xf32> to vector<1x512xi32>
      %get3A_169 = arith.constant 0 : index
      %get3A_170 = arith.constant 0 : index
      %get3A_171 = vector.load %arg21[%get3A_169, %get3A_170] : memref<1x512xf32, #tpu.memory_space<vmem>>, vector<1x512xf32>
      %add3A_172 = arith.addf %get3A_171, %broadcast_in_dim3A_123 : vector<1x512xf32>
      %swap3A = arith.constant 0 : index
      %swap3A_173 = arith.constant 0 : index
      %swap3A_174 = vector.load %arg21[%swap3A, %swap3A_173] : memref<1x512xf32, #tpu.memory_space<vmem>>, vector<1x512xf32>
      tpu.vector_store %arg21[%swap3A, %swap3A_173], %add3A_172 {strides = array<i32>} : memref<1x512xf32, #tpu.memory_space<vmem>>, vector<1x512xf32>,
      %swap3A_175 = arith.constant 0 : index
      %swap3A_176 = arith.constant 0 : index
      %swap3A_177 = vector.load %arg15[%swap3A_175, %swap3A_176] : memref<512x4xi32, #tpu.memory_space<vmem>>, vector<512x4xi32>
      tpu.vector_store %arg15[%swap3A_175, %swap3A_176], %or3A {strides = array<i32>} : memref<512x4xi32, #tpu.memory_space<vmem>>, vector<512x4xi32>,
      %swap3A_178 = arith.constant 0 : index
      %swap3A_179 = arith.constant 0 : index
      %swap3A_180 = vector.load %arg16[%swap3A_178, %swap3A_179] : memref<1x512xi32, #tpu.memory_space<vmem>>, vector<1x512xi32>
      tpu.vector_store %arg16[%swap3A_178, %swap3A_179], %convert_element_type3A_168 {strides = array<i32>} : memref<1x512xi32, #tpu.memory_space<vmem>>, vector<1x512xi32>,
    } else {
    }
    %eq3A = arith.constant 4 : i32
    %eq3A_7 = arith.cmpi eq, %arg0, %eq3A : i32
    %convert_element_type3A_8 = arith.extui %eq3A_7 : i1 to i32
    %cond3A_9 = arith.constant 0 : i32
    %cond3A_10 = arith.cmpi ne, %convert_element_type3A_8, %cond3A_9 : i32
    scf.if %cond3A_10 {
      %get3A_16 = arith.constant 0 : index
      %get3A_17 = arith.constant 0 : index
      %get3A_18 = vector.load %arg4[%get3A_16, %get3A_17] : memref<512x1024xf32, #tpu.memory_space<vmem>>, vector<512x1024xf32>
      %get3A_19 = arith.constant 0 : index
      %get3A_20 = arith.constant 0 : index
      %get3A_21 = vector.load %arg7[%get3A_19, %get3A_20] : memref<256x1024xf32, #tpu.memory_space<vmem>>, vector<256x1024xf32>
      %get3A_22 = arith.constant 0 : index
      %get3A_23 = arith.constant 0 : index
      %get3A_24 = vector.load %arg10[%get3A_22, %get3A_23] : memref<256x256xf32, #tpu.memory_space<vmem>>, vector<256x256xf32>
      %get3A_25 = arith.constant 0 : index
      %get3A_26 = arith.constant 0 : index
      %get3A_27 = vector.load %arg13[%get3A_25, %get3A_26] : memref<1x256xf32, #tpu.memory_space<vmem>>, vector<1x256xf32>
      %mul3A = vector.broadcast %get3A_1 : f32 to vector<256x1024xf32>
      %mul3A_28 = arith.mulf %get3A_21, %mul3A : vector<256x1024xf32>
      %tanh3A = math.tanh %mul3A_28 : vector<256x1024xf32>
      %mul3A_29 = vector.broadcast %get3A_4 : f32 to vector<512x1024xf32>
      %mul3A_30 = arith.mulf %get3A_18, %mul3A_29 : vector<512x1024xf32>
      %tanh3A_31 = math.tanh %mul3A_30 : vector<512x1024xf32>
      %dot_general3A = arith.constant dense<0.000000e+00> : vector<512x256xf32>
      %dot_general3A_32 = tpu.matmul %tanh3A_31, %tanh3A, %dot_general3A {dimension_numbers = #tpu.dot_dimension_numbers<[1], [1], [0], [0], [0, 0, 1, 0], [], []>, transpose_lhs_hint = false} : vector<512x1024xf32>, vector<256x1024xf32>, vector<512x256xf32> -> vector<512x256xf32>
      %max3A = arith.constant 0.000000e+00 : f32
      %max3A_33 = vector.broadcast %max3A : f32 to vector<512x256xf32>
      %max3A_34 = arith.maximumf %dot_general3A_32, %max3A_33 : vector<512x256xf32>
      %dot_general3A_35 = arith.constant dense<0.000000e+00> : vector<512x256xf32>
      %dot_general3A_36 = tpu.matmul %max3A_34, %get3A_24, %dot_general3A_35 {dimension_numbers = #tpu.dot_dimension_numbers<[1], [1], [0], [0], [0, 0, 1, 0], [], []>, transpose_lhs_hint = false} : vector<512x256xf32>, vector<256x256xf32>, vector<512x256xf32> -> vector<512x256xf32>
      %add3A = vector.broadcast %get3A_27 : vector<1x256xf32> to vector<512x256xf32>
      %add3A_37 = arith.addf %dot_general3A_36, %add3A : vector<512x256xf32>
      %broadcast_in_dim3A = arith.constant 0.000000e+00 : f32
      %broadcast_in_dim3A_38 = vector.broadcast %broadcast_in_dim3A : f32 to vector<1x256xf32>
      %iota3A = tpu.iota {dimensions = array<i32: 1>} : vector<512x256xi32>
      %broadcast_in_dim3A_39 = arith.constant 0.000000e+00 : f32
      %broadcast_in_dim3A_40 = vector.broadcast %broadcast_in_dim3A_39 : f32 to vector<512x256xf32>
      %reduce_max3A = arith.constant dense<0xFF800000> : vector<512xf32>
      %reduce_max3A_41 = vector.multi_reduction <maximumf>, %add3A_37, %reduce_max3A [1] : vector<512x256xf32> to vector<512xf32>
      %broadcast_in_dim3A_42 = vector.shape_cast %reduce_max3A_41 : vector<512xf32> to vector<512x1xf32>
      %eq3A_43 = vector.broadcast %broadcast_in_dim3A_42 : vector<512x1xf32> to vector<512x256xf32>
      %eq3A_44 = arith.cmpf oeq, %add3A_37, %eq3A_43 : vector<512x256xf32>
      %jit3A = arith.constant 256 : i32
      %broadcast_in_dim3A_45 = vector.broadcast %jit3A : i32 to vector<512x256xi32>
      %select_n3A = arith.select %eq3A_44, %iota3A, %broadcast_in_dim3A_45 : vector<512x256xi1>, vector<512x256xi32>
      %reduce_min3A = arith.constant dense<2147483647> : vector<512xi32>
      %reduce_min3A_46 = vector.multi_reduction <minsi>, %select_n3A, %reduce_min3A [1] : vector<512x256xi32> to vector<512xi32>
      %broadcast_in_dim3A_47 = vector.shape_cast %reduce_min3A_46 : vector<512xi32> to vector<512x1xi32>
      %eq3A_48 = vector.broadcast %broadcast_in_dim3A_47 : vector<512x1xi32> to vector<512x256xi32>
      %eq3A_49 = arith.cmpi eq, %iota3A, %eq3A_48 : vector<512x256xi32>
      %convert_element_type3A_50 = arith.extui %eq3A_49 : vector<512x256xi1> to vector<512x256xi32>
      %convert_element_type3A_51 = arith.sitofp %convert_element_type3A_50 : vector<512x256xi32> to vector<512x256xf32>
      %add3A_52 = arith.addf %broadcast_in_dim3A_40, %convert_element_type3A_51 : vector<512x256xf32>
      %jit3A_53 = arith.constant 0xFF800000 : f32
      %broadcast_in_dim3A_54 = vector.broadcast %jit3A_53 : f32 to vector<512x256xf32>
      %select_n3A_55 = arith.select %eq3A_49, %broadcast_in_dim3A_54, %add3A_37 : vector<512x256xi1>, vector<512x256xf32>
      %reduce_max3A_56 = arith.constant dense<0xFF800000> : vector<512xf32>
      %reduce_max3A_57 = vector.multi_reduction <maximumf>, %select_n3A_55, %reduce_max3A_56 [1] : vector<512x256xf32> to vector<512xf32>
      %broadcast_in_dim3A_58 = vector.shape_cast %reduce_max3A_57 : vector<512xf32> to vector<512x1xf32>
      %eq3A_59 = vector.broadcast %broadcast_in_dim3A_58 : vector<512x1xf32> to vector<512x256xf32>
      %eq3A_60 = arith.cmpf oeq, %select_n3A_55, %eq3A_59 : vector<512x256xf32>
      %jit3A_61 = arith.constant 256 : i32
      %broadcast_in_dim3A_62 = vector.broadcast %jit3A_61 : i32 to vector<512x256xi32>
      %select_n3A_63 = arith.select %eq3A_60, %iota3A, %broadcast_in_dim3A_62 : vector<512x256xi1>, vector<512x256xi32>
      %reduce_min3A_64 = arith.constant dense<2147483647> : vector<512xi32>
      %reduce_min3A_65 = vector.multi_reduction <minsi>, %select_n3A_63, %reduce_min3A_64 [1] : vector<512x256xi32> to vector<512xi32>
      %broadcast_in_dim3A_66 = vector.shape_cast %reduce_min3A_65 : vector<512xi32> to vector<512x1xi32>
      %eq3A_67 = vector.broadcast %broadcast_in_dim3A_66 : vector<512x1xi32> to vector<512x256xi32>
      %eq3A_68 = arith.cmpi eq, %iota3A, %eq3A_67 : vector<512x256xi32>
      %convert_element_type3A_69 = arith.extui %eq3A_68 : vector<512x256xi1> to vector<512x256xi32>
      %convert_element_type3A_70 = arith.sitofp %convert_element_type3A_69 : vector<512x256xi32> to vector<512x256xf32>
      %add3A_71 = arith.addf %add3A_52, %convert_element_type3A_70 : vector<512x256xf32>
      %jit3A_72 = arith.constant 0xFF800000 : f32
      %broadcast_in_dim3A_73 = vector.broadcast %jit3A_72 : f32 to vector<512x256xf32>
      %select_n3A_74 = arith.select %eq3A_68, %broadcast_in_dim3A_73, %select_n3A_55 : vector<512x256xi1>, vector<512x256xf32>
      %reduce_max3A_75 = arith.constant dense<0xFF800000> : vector<512xf32>
      %reduce_max3A_76 = vector.multi_reduction <maximumf>, %select_n3A_74, %reduce_max3A_75 [1] : vector<512x256xf32> to vector<512xf32>
      %broadcast_in_dim3A_77 = vector.shape_cast %reduce_max3A_76 : vector<512xf32> to vector<512x1xf32>
      %eq3A_78 = vector.broadcast %broadcast_in_dim3A_77 : vector<512x1xf32> to vector<512x256xf32>
      %eq3A_79 = arith.cmpf oeq, %select_n3A_74, %eq3A_78 : vector<512x256xf32>
      %jit3A_80 = arith.constant 256 : i32
      %broadcast_in_dim3A_81 = vector.broadcast %jit3A_80 : i32 to vector<512x256xi32>
      %select_n3A_82 = arith.select %eq3A_79, %iota3A, %broadcast_in_dim3A_81 : vector<512x256xi1>, vector<512x256xi32>
      %reduce_min3A_83 = arith.constant dense<2147483647> : vector<512xi32>
      %reduce_min3A_84 = vector.multi_reduction <minsi>, %select_n3A_82, %reduce_min3A_83 [1] : vector<512x256xi32> to vector<512xi32>
      %broadcast_in_dim3A_85 = vector.shape_cast %reduce_min3A_84 : vector<512xi32> to vector<512x1xi32>
      %eq3A_86 = vector.broadcast %broadcast_in_dim3A_85 : vector<512x1xi32> to vector<512x256xi32>
      %eq3A_87 = arith.cmpi eq, %iota3A, %eq3A_86 : vector<512x256xi32>
      %convert_element_type3A_88 = arith.extui %eq3A_87 : vector<512x256xi1> to vector<512x256xi32>
      %convert_element_type3A_89 = arith.sitofp %convert_element_type3A_88 : vector<512x256xi32> to vector<512x256xf32>
      %add3A_90 = arith.addf %add3A_71, %convert_element_type3A_89 : vector<512x256xf32>
      %jit3A_91 = arith.constant 0xFF800000 : f32
      %broadcast_in_dim3A_92 = vector.broadcast %jit3A_91 : f32 to vector<512x256xf32>
      %select_n3A_93 = arith.select %eq3A_87, %broadcast_in_dim3A_92, %select_n3A_74 : vector<512x256xi1>, vector<512x256xf32>
      %reduce_max3A_94 = arith.constant dense<0xFF800000> : vector<512xf32>
      %reduce_max3A_95 = vector.multi_reduction <maximumf>, %select_n3A_93, %reduce_max3A_94 [1] : vector<512x256xf32> to vector<512xf32>
      %broadcast_in_dim3A_96 = vector.shape_cast %reduce_max3A_95 : vector<512xf32> to vector<512x1xf32>
      %eq3A_97 = vector.broadcast %broadcast_in_dim3A_96 : vector<512x1xf32> to vector<512x256xf32>
      %eq3A_98 = arith.cmpf oeq, %select_n3A_93, %eq3A_97 : vector<512x256xf32>
      %jit3A_99 = arith.constant 256 : i32
      %broadcast_in_dim3A_100 = vector.broadcast %jit3A_99 : i32 to vector<512x256xi32>
      %select_n3A_101 = arith.select %eq3A_98, %iota3A, %broadcast_in_dim3A_100 : vector<512x256xi1>, vector<512x256xi32>
      %reduce_min3A_102 = arith.constant dense<2147483647> : vector<512xi32>
      %reduce_min3A_103 = vector.multi_reduction <minsi>, %select_n3A_101, %reduce_min3A_102 [1] : vector<512x256xi32> to vector<512xi32>
      %broadcast_in_dim3A_104 = vector.shape_cast %reduce_min3A_103 : vector<512xi32> to vector<512x1xi32>
      %eq3A_105 = vector.broadcast %broadcast_in_dim3A_104 : vector<512x1xi32> to vector<512x256xi32>
      %eq3A_106 = arith.cmpi eq, %iota3A, %eq3A_105 : vector<512x256xi32>
      %convert_element_type3A_107 = arith.extui %eq3A_106 : vector<512x256xi1> to vector<512x256xi32>
      %convert_element_type3A_108 = arith.sitofp %convert_element_type3A_107 : vector<512x256xi32> to vector<512x256xf32>
      %add3A_109 = arith.addf %add3A_90, %convert_element_type3A_108 : vector<512x256xf32>
      %iota3A_110 = tpu.iota {dimensions = array<i32: 0>} : vector<512x512xi32>
      %iota3A_111 = tpu.iota {dimensions = array<i32: 1>} : vector<512x512xi32>
      %lt3A_112 = arith.cmpi slt, %iota3A_111, %iota3A_110 : vector<512x512xi32>
      %convert_element_type3A_113 = arith.extui %lt3A_112 : vector<512x512xi1> to vector<512x512xi32>
      %convert_element_type3A_114 = arith.sitofp %convert_element_type3A_113 : vector<512x512xi32> to vector<512x512xf32>
      %dot_general3A_115 = arith.constant dense<0.000000e+00> : vector<512x256xf32>
      %dot_general3A_116 = tpu.matmul %convert_element_type3A_114, %add3A_109, %dot_general3A_115 {dimension_numbers = #tpu.dot_dimension_numbers<[1], [0], [0], [1], [0, 0, 1, 1], [], []>, transpose_lhs_hint = false} : vector<512x512xf32>, vector<512x256xf32>, vector<512x256xf32> -> vector<512x256xf32>
      %add3A_117 = vector.broadcast %broadcast_in_dim3A_38 : vector<1x256xf32> to vector<512x256xf32>
      %add3A_118 = arith.addf %dot_general3A_116, %add3A_117 : vector<512x256xf32>
      %reduce_sum3A = arith.constant dense<0.000000e+00> : vector<256xf32>
      %reduce_sum3A_119 = vector.multi_reduction <add>, %add3A_109, %reduce_sum3A [0] : vector<512x256xf32> to vector<256xf32>
      %broadcast_in_dim3A_120 = vector.shape_cast %reduce_sum3A_119 : vector<256xf32> to vector<1x256xf32>
      %eq3A_121 = vector.broadcast %broadcast_in_dim3A_47 : vector<512x1xi32> to vector<512x256xi32>
      %eq3A_122 = arith.cmpi eq, %iota3A, %eq3A_121 : vector<512x256xi32>
      %jit3A_123 = arith.constant 0.000000e+00 : f32
      %broadcast_in_dim3A_124 = vector.broadcast %jit3A_123 : f32 to vector<512x256xf32>
      %select_n3A_125 = arith.select %eq3A_122, %add3A_118, %broadcast_in_dim3A_124 : vector<512x256xi1>, vector<512x256xf32>
      %reduce_sum3A_126 = arith.constant dense<0.000000e+00> : vector<512xf32>
      %reduce_sum3A_127 = vector.multi_reduction <add>, %select_n3A_125, %reduce_sum3A_126 [1] : vector<512x256xf32> to vector<512xf32>
      %broadcast_in_dim3A_128 = vector.shape_cast %reduce_sum3A_127 : vector<512xf32> to vector<512x1xf32>
      %eq3A_129 = vector.broadcast %broadcast_in_dim3A_66 : vector<512x1xi32> to vector<512x256xi32>
      %eq3A_130 = arith.cmpi eq, %iota3A, %eq3A_129 : vector<512x256xi32>
      %jit3A_131 = arith.constant 0.000000e+00 : f32
      %broadcast_in_dim3A_132 = vector.broadcast %jit3A_131 : f32 to vector<512x256xf32>
      %select_n3A_133 = arith.select %eq3A_130, %add3A_118, %broadcast_in_dim3A_132 : vector<512x256xi1>, vector<512x256xf32>
      %reduce_sum3A_134 = arith.constant dense<0.000000e+00> : vector<512xf32>
      %reduce_sum3A_135 = vector.multi_reduction <add>, %select_n3A_133, %reduce_sum3A_134 [1] : vector<512x256xf32> to vector<512xf32>
      %broadcast_in_dim3A_136 = vector.shape_cast %reduce_sum3A_135 : vector<512xf32> to vector<512x1xf32>
      %eq3A_137 = vector.broadcast %broadcast_in_dim3A_85 : vector<512x1xi32> to vector<512x256xi32>
      %eq3A_138 = arith.cmpi eq, %iota3A, %eq3A_137 : vector<512x256xi32>
      %jit3A_139 = arith.constant 0.000000e+00 : f32
      %broadcast_in_dim3A_140 = vector.broadcast %jit3A_139 : f32 to vector<512x256xf32>
      %select_n3A_141 = arith.select %eq3A_138, %add3A_118, %broadcast_in_dim3A_140 : vector<512x256xi1>, vector<512x256xf32>
      %reduce_sum3A_142 = arith.constant dense<0.000000e+00> : vector<512xf32>
      %reduce_sum3A_143 = vector.multi_reduction <add>, %select_n3A_141, %reduce_sum3A_142 [1] : vector<512x256xf32> to vector<512xf32>
      %broadcast_in_dim3A_144 = vector.shape_cast %reduce_sum3A_143 : vector<512xf32> to vector<512x1xf32>
      %eq3A_145 = vector.broadcast %broadcast_in_dim3A_104 : vector<512x1xi32> to vector<512x256xi32>
      %eq3A_146 = arith.cmpi eq, %iota3A, %eq3A_145 : vector<512x256xi32>
      %jit3A_147 = arith.constant 0.000000e+00 : f32
      %broadcast_in_dim3A_148 = vector.broadcast %jit3A_147 : f32 to vector<512x256xf32>
      %select_n3A_149 = arith.select %eq3A_146, %add3A_118, %broadcast_in_dim3A_148 : vector<512x256xi1>, vector<512x256xf32>
      %reduce_sum3A_150 = arith.constant dense<0.000000e+00> : vector<512xf32>
      %reduce_sum3A_151 = vector.multi_reduction <add>, %select_n3A_149, %reduce_sum3A_150 [1] : vector<512x256xf32> to vector<512xf32>
      %broadcast_in_dim3A_152 = vector.shape_cast %reduce_sum3A_151 : vector<512xf32> to vector<512x1xf32>
      %iota3A_153 = tpu.iota {dimensions = array<i32: 0>} : vector<256x256xi32>
      %iota3A_154 = tpu.iota {dimensions = array<i32: 1>} : vector<256x256xi32>
      %lt3A_155 = arith.cmpi slt, %iota3A_153, %iota3A_154 : vector<256x256xi32>
      %convert_element_type3A_156 = arith.extui %lt3A_155 : vector<256x256xi1> to vector<256x256xi32>
      %convert_element_type3A_157 = arith.sitofp %convert_element_type3A_156 : vector<256x256xi32> to vector<256x256xf32>
      %add3A_158 = arith.addf %broadcast_in_dim3A_38, %broadcast_in_dim3A_120 : vector<1x256xf32>
      %dot_general3A_159 = arith.constant dense<0.000000e+00> : vector<1x256xf32>
      %dot_general3A_160 = tpu.matmul %add3A_158, %convert_element_type3A_157, %dot_general3A_159 {dimension_numbers = #tpu.dot_dimension_numbers<[1], [0], [0], [1], [0, 0, 1, 1], [], []>, precision = #tpu.contract_precision<fp32>, transpose_lhs_hint = false} : vector<1x256xf32>, vector<256x256xf32>, vector<1x256xf32> -> vector<1x256xf32>
      %concatenate3A = tpu.concatenate %broadcast_in_dim3A_128, %broadcast_in_dim3A_136, %broadcast_in_dim3A_144, %broadcast_in_dim3A_152 in 1 : vector<512x1xf32>, vector<512x1xf32>, vector<512x1xf32>, vector<512x1xf32> -> vector<512x4xf32>
      %convert_element_type3A_161 = arith.fptosi %concatenate3A : vector<512x4xf32> to vector<512x4xi32>
      %shift_left3A = arith.constant 10 : i32
      %shift_left3A_162 = vector.broadcast %shift_left3A : i32 to vector<512x4xi32>
      %shift_left3A_163 = arith.shli %convert_element_type3A_161, %shift_left3A_162 : vector<512x4xi32>
      %concatenate3A_164 = tpu.concatenate %broadcast_in_dim3A_47, %broadcast_in_dim3A_66, %broadcast_in_dim3A_85, %broadcast_in_dim3A_104 in 1 : vector<512x1xi32>, vector<512x1xi32>, vector<512x1xi32>, vector<512x1xi32> -> vector<512x4xi32>
      %or3A = arith.ori %shift_left3A_163, %concatenate3A_164 : vector<512x4xi32>
      %convert_element_type3A_165 = arith.fptosi %dot_general3A_160 : vector<1x256xf32> to vector<1x256xi32>
      %swap3A = arith.constant 0 : index
      %swap3A_166 = arith.constant 0 : index
      %swap3A_167 = vector.load %arg17[%swap3A, %swap3A_166] : memref<512x4xi32, #tpu.memory_space<vmem>>, vector<512x4xi32>
      tpu.vector_store %arg17[%swap3A, %swap3A_166], %or3A {strides = array<i32>} : memref<512x4xi32, #tpu.memory_space<vmem>>, vector<512x4xi32>,
      %swap3A_168 = arith.constant 0 : index
      %swap3A_169 = arith.constant 0 : index
      %swap3A_170 = vector.load %arg18[%swap3A_168, %swap3A_169] : memref<1x256xi32, #tpu.memory_space<vmem>>, vector<1x256xi32>
      tpu.vector_store %arg18[%swap3A_168, %swap3A_169], %convert_element_type3A_165 {strides = array<i32>} : memref<1x256xi32, #tpu.memory_space<vmem>>, vector<1x256xi32>,
    } else {
    }
    %eq3A_11 = arith.constant 5 : i32
    %eq3A_12 = arith.cmpi eq, %arg0, %eq3A_11 : i32
    %convert_element_type3A_13 = arith.extui %eq3A_12 : i1 to i32
    %cond3A_14 = arith.constant 0 : i32
    %cond3A_15 = arith.cmpi ne, %convert_element_type3A_13, %cond3A_14 : i32
    scf.if %cond3A_15 {
      %get3A_16 = arith.constant 0 : index
      %get3A_17 = arith.constant 0 : index
      %get3A_18 = vector.load %arg5[%get3A_16, %get3A_17] : memref<128x1024xf32, #tpu.memory_space<vmem>>, vector<128x1024xf32>
      %get3A_19 = arith.constant 0 : index
      %get3A_20 = arith.constant 0 : index
      %get3A_21 = vector.load %arg8[%get3A_19, %get3A_20] : memref<128x1024xf32, #tpu.memory_space<vmem>>, vector<128x1024xf32>
      %get3A_22 = arith.constant 0 : index
      %get3A_23 = arith.constant 0 : index
      %get3A_24 = vector.load %arg11[%get3A_22, %get3A_23] : memref<128x128xf32, #tpu.memory_space<vmem>>, vector<128x128xf32>
      %get3A_25 = arith.constant 0 : index
      %get3A_26 = arith.constant 0 : index
      %get3A_27 = vector.load %arg14[%get3A_25, %get3A_26] : memref<1x128xf32, #tpu.memory_space<vmem>>, vector<1x128xf32>
      %mul3A = vector.broadcast %get3A_1 : f32 to vector<128x1024xf32>
      %mul3A_28 = arith.mulf %get3A_21, %mul3A : vector<128x1024xf32>
      %tanh3A = math.tanh %mul3A_28 : vector<128x1024xf32>
      %mul3A_29 = vector.broadcast %get3A_4 : f32 to vector<128x1024xf32>
      %mul3A_30 = arith.mulf %get3A_18, %mul3A_29 : vector<128x1024xf32>
      %tanh3A_31 = math.tanh %mul3A_30 : vector<128x1024xf32>
      %dot_general3A = arith.constant dense<0.000000e+00> : vector<128x128xf32>
      %dot_general3A_32 = tpu.matmul %tanh3A_31, %tanh3A, %dot_general3A {dimension_numbers = #tpu.dot_dimension_numbers<[1], [1], [0], [0], [0, 0, 1, 0], [], []>, transpose_lhs_hint = false} : vector<128x1024xf32>, vector<128x1024xf32>, vector<128x128xf32> -> vector<128x128xf32>
      %max3A = arith.constant 0.000000e+00 : f32
      %max3A_33 = vector.broadcast %max3A : f32 to vector<128x128xf32>
      %max3A_34 = arith.maximumf %dot_general3A_32, %max3A_33 : vector<128x128xf32>
      %dot_general3A_35 = arith.constant dense<0.000000e+00> : vector<128x128xf32>
      %dot_general3A_36 = tpu.matmul %max3A_34, %get3A_24, %dot_general3A_35 {dimension_numbers = #tpu.dot_dimension_numbers<[1], [1], [0], [0], [0, 0, 1, 0], [], []>, transpose_lhs_hint = false} : vector<128x128xf32>, vector<128x128xf32>, vector<128x128xf32> -> vector<128x128xf32>
      %add3A = vector.broadcast %get3A_27 : vector<1x128xf32> to vector<128x128xf32>
      %add3A_37 = arith.addf %dot_general3A_36, %add3A : vector<128x128xf32>
      %broadcast_in_dim3A = arith.constant 0.000000e+00 : f32
      %broadcast_in_dim3A_38 = vector.broadcast %broadcast_in_dim3A : f32 to vector<1x128xf32>
      %iota3A = tpu.iota {dimensions = array<i32: 1>} : vector<128x128xi32>
      %broadcast_in_dim3A_39 = arith.constant 0.000000e+00 : f32
      %broadcast_in_dim3A_40 = vector.broadcast %broadcast_in_dim3A_39 : f32 to vector<128x128xf32>
      %reduce_max3A = arith.constant dense<0xFF800000> : vector<128xf32>
      %reduce_max3A_41 = vector.multi_reduction <maximumf>, %add3A_37, %reduce_max3A [1] : vector<128x128xf32> to vector<128xf32>
      %broadcast_in_dim3A_42 = vector.shape_cast %reduce_max3A_41 : vector<128xf32> to vector<128x1xf32>
      %eq3A_43 = vector.broadcast %broadcast_in_dim3A_42 : vector<128x1xf32> to vector<128x128xf32>
      %eq3A_44 = arith.cmpf oeq, %add3A_37, %eq3A_43 : vector<128x128xf32>
      %jit3A = arith.constant 128 : i32
      %broadcast_in_dim3A_45 = vector.broadcast %jit3A : i32 to vector<128x128xi32>
      %select_n3A = arith.select %eq3A_44, %iota3A, %broadcast_in_dim3A_45 : vector<128x128xi1>, vector<128x128xi32>
      %reduce_min3A = arith.constant dense<2147483647> : vector<128xi32>
      %reduce_min3A_46 = vector.multi_reduction <minsi>, %select_n3A, %reduce_min3A [1] : vector<128x128xi32> to vector<128xi32>
      %broadcast_in_dim3A_47 = vector.shape_cast %reduce_min3A_46 : vector<128xi32> to vector<128x1xi32>
      %eq3A_48 = vector.broadcast %broadcast_in_dim3A_47 : vector<128x1xi32> to vector<128x128xi32>
      %eq3A_49 = arith.cmpi eq, %iota3A, %eq3A_48 : vector<128x128xi32>
      %convert_element_type3A_50 = arith.extui %eq3A_49 : vector<128x128xi1> to vector<128x128xi32>
      %convert_element_type3A_51 = arith.sitofp %convert_element_type3A_50 : vector<128x128xi32> to vector<128x128xf32>
      %add3A_52 = arith.addf %broadcast_in_dim3A_40, %convert_element_type3A_51 : vector<128x128xf32>
      %jit3A_53 = arith.constant 0xFF800000 : f32
      %broadcast_in_dim3A_54 = vector.broadcast %jit3A_53 : f32 to vector<128x128xf32>
      %select_n3A_55 = arith.select %eq3A_49, %broadcast_in_dim3A_54, %add3A_37 : vector<128x128xi1>, vector<128x128xf32>
      %reduce_max3A_56 = arith.constant dense<0xFF800000> : vector<128xf32>
      %reduce_max3A_57 = vector.multi_reduction <maximumf>, %select_n3A_55, %reduce_max3A_56 [1] : vector<128x128xf32> to vector<128xf32>
      %broadcast_in_dim3A_58 = vector.shape_cast %reduce_max3A_57 : vector<128xf32> to vector<128x1xf32>
      %eq3A_59 = vector.broadcast %broadcast_in_dim3A_58 : vector<128x1xf32> to vector<128x128xf32>
      %eq3A_60 = arith.cmpf oeq, %select_n3A_55, %eq3A_59 : vector<128x128xf32>
      %jit3A_61 = arith.constant 128 : i32
      %broadcast_in_dim3A_62 = vector.broadcast %jit3A_61 : i32 to vector<128x128xi32>
      %select_n3A_63 = arith.select %eq3A_60, %iota3A, %broadcast_in_dim3A_62 : vector<128x128xi1>, vector<128x128xi32>
      %reduce_min3A_64 = arith.constant dense<2147483647> : vector<128xi32>
      %reduce_min3A_65 = vector.multi_reduction <minsi>, %select_n3A_63, %reduce_min3A_64 [1] : vector<128x128xi32> to vector<128xi32>
      %broadcast_in_dim3A_66 = vector.shape_cast %reduce_min3A_65 : vector<128xi32> to vector<128x1xi32>
      %eq3A_67 = vector.broadcast %broadcast_in_dim3A_66 : vector<128x1xi32> to vector<128x128xi32>
      %eq3A_68 = arith.cmpi eq, %iota3A, %eq3A_67 : vector<128x128xi32>
      %convert_element_type3A_69 = arith.extui %eq3A_68 : vector<128x128xi1> to vector<128x128xi32>
      %convert_element_type3A_70 = arith.sitofp %convert_element_type3A_69 : vector<128x128xi32> to vector<128x128xf32>
      %add3A_71 = arith.addf %add3A_52, %convert_element_type3A_70 : vector<128x128xf32>
      %jit3A_72 = arith.constant 0xFF800000 : f32
      %broadcast_in_dim3A_73 = vector.broadcast %jit3A_72 : f32 to vector<128x128xf32>
      %select_n3A_74 = arith.select %eq3A_68, %broadcast_in_dim3A_73, %select_n3A_55 : vector<128x128xi1>, vector<128x128xf32>
      %reduce_max3A_75 = arith.constant dense<0xFF800000> : vector<128xf32>
      %reduce_max3A_76 = vector.multi_reduction <maximumf>, %select_n3A_74, %reduce_max3A_75 [1] : vector<128x128xf32> to vector<128xf32>
      %broadcast_in_dim3A_77 = vector.shape_cast %reduce_max3A_76 : vector<128xf32> to vector<128x1xf32>
      %eq3A_78 = vector.broadcast %broadcast_in_dim3A_77 : vector<128x1xf32> to vector<128x128xf32>
      %eq3A_79 = arith.cmpf oeq, %select_n3A_74, %eq3A_78 : vector<128x128xf32>
      %jit3A_80 = arith.constant 128 : i32
      %broadcast_in_dim3A_81 = vector.broadcast %jit3A_80 : i32 to vector<128x128xi32>
      %select_n3A_82 = arith.select %eq3A_79, %iota3A, %broadcast_in_dim3A_81 : vector<128x128xi1>, vector<128x128xi32>
      %reduce_min3A_83 = arith.constant dense<2147483647> : vector<128xi32>
      %reduce_min3A_84 = vector.multi_reduction <minsi>, %select_n3A_82, %reduce_min3A_83 [1] : vector<128x128xi32> to vector<128xi32>
      %broadcast_in_dim3A_85 = vector.shape_cast %reduce_min3A_84 : vector<128xi32> to vector<128x1xi32>
      %eq3A_86 = vector.broadcast %broadcast_in_dim3A_85 : vector<128x1xi32> to vector<128x128xi32>
      %eq3A_87 = arith.cmpi eq, %iota3A, %eq3A_86 : vector<128x128xi32>
      %convert_element_type3A_88 = arith.extui %eq3A_87 : vector<128x128xi1> to vector<128x128xi32>
      %convert_element_type3A_89 = arith.sitofp %convert_element_type3A_88 : vector<128x128xi32> to vector<128x128xf32>
      %add3A_90 = arith.addf %add3A_71, %convert_element_type3A_89 : vector<128x128xf32>
      %jit3A_91 = arith.constant 0xFF800000 : f32
      %broadcast_in_dim3A_92 = vector.broadcast %jit3A_91 : f32 to vector<128x128xf32>
      %select_n3A_93 = arith.select %eq3A_87, %broadcast_in_dim3A_92, %select_n3A_74 : vector<128x128xi1>, vector<128x128xf32>
      %reduce_max3A_94 = arith.constant dense<0xFF800000> : vector<128xf32>
      %reduce_max3A_95 = vector.multi_reduction <maximumf>, %select_n3A_93, %reduce_max3A_94 [1] : vector<128x128xf32> to vector<128xf32>
      %broadcast_in_dim3A_96 = vector.shape_cast %reduce_max3A_95 : vector<128xf32> to vector<128x1xf32>
      %eq3A_97 = vector.broadcast %broadcast_in_dim3A_96 : vector<128x1xf32> to vector<128x128xf32>
      %eq3A_98 = arith.cmpf oeq, %select_n3A_93, %eq3A_97 : vector<128x128xf32>
      %jit3A_99 = arith.constant 128 : i32
      %broadcast_in_dim3A_100 = vector.broadcast %jit3A_99 : i32 to vector<128x128xi32>
      %select_n3A_101 = arith.select %eq3A_98, %iota3A, %broadcast_in_dim3A_100 : vector<128x128xi1>, vector<128x128xi32>
      %reduce_min3A_102 = arith.constant dense<2147483647> : vector<128xi32>
      %reduce_min3A_103 = vector.multi_reduction <minsi>, %select_n3A_101, %reduce_min3A_102 [1] : vector<128x128xi32> to vector<128xi32>
      %broadcast_in_dim3A_104 = vector.shape_cast %reduce_min3A_103 : vector<128xi32> to vector<128x1xi32>
      %eq3A_105 = vector.broadcast %broadcast_in_dim3A_104 : vector<128x1xi32> to vector<128x128xi32>
      %eq3A_106 = arith.cmpi eq, %iota3A, %eq3A_105 : vector<128x128xi32>
      %convert_element_type3A_107 = arith.extui %eq3A_106 : vector<128x128xi1> to vector<128x128xi32>
      %convert_element_type3A_108 = arith.sitofp %convert_element_type3A_107 : vector<128x128xi32> to vector<128x128xf32>
      %add3A_109 = arith.addf %add3A_90, %convert_element_type3A_108 : vector<128x128xf32>
      %iota3A_110 = tpu.iota {dimensions = array<i32: 0>} : vector<128x128xi32>
      %iota3A_111 = tpu.iota {dimensions = array<i32: 1>} : vector<128x128xi32>
      %lt3A_112 = arith.cmpi slt, %iota3A_111, %iota3A_110 : vector<128x128xi32>
      %convert_element_type3A_113 = arith.extui %lt3A_112 : vector<128x128xi1> to vector<128x128xi32>
      %convert_element_type3A_114 = arith.sitofp %convert_element_type3A_113 : vector<128x128xi32> to vector<128x128xf32>
      %dot_general3A_115 = arith.constant dense<0.000000e+00> : vector<128x128xf32>
      %dot_general3A_116 = tpu.matmul %convert_element_type3A_114, %add3A_109, %dot_general3A_115 {dimension_numbers = #tpu.dot_dimension_numbers<[1], [0], [0], [1], [0, 0, 1, 1], [], []>, transpose_lhs_hint = false} : vector<128x128xf32>, vector<128x128xf32>, vector<128x128xf32> -> vector<128x128xf32>
      %add3A_117 = vector.broadcast %broadcast_in_dim3A_38 : vector<1x128xf32> to vector<128x128xf32>
      %add3A_118 = arith.addf %dot_general3A_116, %add3A_117 : vector<128x128xf32>
      %reduce_sum3A = arith.constant dense<0.000000e+00> : vector<128xf32>
      %reduce_sum3A_119 = vector.multi_reduction <add>, %add3A_109, %reduce_sum3A [0] : vector<128x128xf32> to vector<128xf32>
      %broadcast_in_dim3A_120 = vector.shape_cast %reduce_sum3A_119 : vector<128xf32> to vector<1x128xf32>
      %eq3A_121 = vector.broadcast %broadcast_in_dim3A_47 : vector<128x1xi32> to vector<128x128xi32>
      %eq3A_122 = arith.cmpi eq, %iota3A, %eq3A_121 : vector<128x128xi32>
      %jit3A_123 = arith.constant 0.000000e+00 : f32
      %broadcast_in_dim3A_124 = vector.broadcast %jit3A_123 : f32 to vector<128x128xf32>
      %select_n3A_125 = arith.select %eq3A_122, %add3A_118, %broadcast_in_dim3A_124 : vector<128x128xi1>, vector<128x128xf32>
      %reduce_sum3A_126 = arith.constant dense<0.000000e+00> : vector<128xf32>
      %reduce_sum3A_127 = vector.multi_reduction <add>, %select_n3A_125, %reduce_sum3A_126 [1] : vector<128x128xf32> to vector<128xf32>
      %broadcast_in_dim3A_128 = vector.shape_cast %reduce_sum3A_127 : vector<128xf32> to vector<128x1xf32>
      %eq3A_129 = vector.broadcast %broadcast_in_dim3A_66 : vector<128x1xi32> to vector<128x128xi32>
      %eq3A_130 = arith.cmpi eq, %iota3A, %eq3A_129 : vector<128x128xi32>
      %jit3A_131 = arith.constant 0.000000e+00 : f32
      %broadcast_in_dim3A_132 = vector.broadcast %jit3A_131 : f32 to vector<128x128xf32>
      %select_n3A_133 = arith.select %eq3A_130, %add3A_118, %broadcast_in_dim3A_132 : vector<128x128xi1>, vector<128x128xf32>
      %reduce_sum3A_134 = arith.constant dense<0.000000e+00> : vector<128xf32>
      %reduce_sum3A_135 = vector.multi_reduction <add>, %select_n3A_133, %reduce_sum3A_134 [1] : vector<128x128xf32> to vector<128xf32>
      %broadcast_in_dim3A_136 = vector.shape_cast %reduce_sum3A_135 : vector<128xf32> to vector<128x1xf32>
      %eq3A_137 = vector.broadcast %broadcast_in_dim3A_85 : vector<128x1xi32> to vector<128x128xi32>
      %eq3A_138 = arith.cmpi eq, %iota3A, %eq3A_137 : vector<128x128xi32>
      %jit3A_139 = arith.constant 0.000000e+00 : f32
      %broadcast_in_dim3A_140 = vector.broadcast %jit3A_139 : f32 to vector<128x128xf32>
      %select_n3A_141 = arith.select %eq3A_138, %add3A_118, %broadcast_in_dim3A_140 : vector<128x128xi1>, vector<128x128xf32>
      %reduce_sum3A_142 = arith.constant dense<0.000000e+00> : vector<128xf32>
      %reduce_sum3A_143 = vector.multi_reduction <add>, %select_n3A_141, %reduce_sum3A_142 [1] : vector<128x128xf32> to vector<128xf32>
      %broadcast_in_dim3A_144 = vector.shape_cast %reduce_sum3A_143 : vector<128xf32> to vector<128x1xf32>
      %eq3A_145 = vector.broadcast %broadcast_in_dim3A_104 : vector<128x1xi32> to vector<128x128xi32>
      %eq3A_146 = arith.cmpi eq, %iota3A, %eq3A_145 : vector<128x128xi32>
      %jit3A_147 = arith.constant 0.000000e+00 : f32
      %broadcast_in_dim3A_148 = vector.broadcast %jit3A_147 : f32 to vector<128x128xf32>
      %select_n3A_149 = arith.select %eq3A_146, %add3A_118, %broadcast_in_dim3A_148 : vector<128x128xi1>, vector<128x128xf32>
      %reduce_sum3A_150 = arith.constant dense<0.000000e+00> : vector<128xf32>
      %reduce_sum3A_151 = vector.multi_reduction <add>, %select_n3A_149, %reduce_sum3A_150 [1] : vector<128x128xf32> to vector<128xf32>
      %broadcast_in_dim3A_152 = vector.shape_cast %reduce_sum3A_151 : vector<128xf32> to vector<128x1xf32>
      %iota3A_153 = tpu.iota {dimensions = array<i32: 0>} : vector<128x128xi32>
      %iota3A_154 = tpu.iota {dimensions = array<i32: 1>} : vector<128x128xi32>
      %lt3A_155 = arith.cmpi slt, %iota3A_153, %iota3A_154 : vector<128x128xi32>
      %convert_element_type3A_156 = arith.extui %lt3A_155 : vector<128x128xi1> to vector<128x128xi32>
      %convert_element_type3A_157 = arith.sitofp %convert_element_type3A_156 : vector<128x128xi32> to vector<128x128xf32>
      %add3A_158 = arith.addf %broadcast_in_dim3A_38, %broadcast_in_dim3A_120 : vector<1x128xf32>
      %dot_general3A_159 = arith.constant dense<0.000000e+00> : vector<1x128xf32>
      %dot_general3A_160 = tpu.matmul %add3A_158, %convert_element_type3A_157, %dot_general3A_159 {dimension_numbers = #tpu.dot_dimension_numbers<[1], [0], [0], [1], [0, 0, 1, 1], [], []>, precision = #tpu.contract_precision<fp32>, transpose_lhs_hint = false} : vector<1x128xf32>, vector<128x128xf32>, vector<1x128xf32> -> vector<1x128xf32>
      %concatenate3A = tpu.concatenate %broadcast_in_dim3A_128, %broadcast_in_dim3A_136, %broadcast_in_dim3A_144, %broadcast_in_dim3A_152 in 1 : vector<128x1xf32>, vector<128x1xf32>, vector<128x1xf32>, vector<128x1xf32> -> vector<128x4xf32>
      %convert_element_type3A_161 = arith.fptosi %concatenate3A : vector<128x4xf32> to vector<128x4xi32>
      %shift_left3A = arith.constant 10 : i32
      %shift_left3A_162 = vector.broadcast %shift_left3A : i32 to vector<128x4xi32>
      %shift_left3A_163 = arith.shli %convert_element_type3A_161, %shift_left3A_162 : vector<128x4xi32>
      %concatenate3A_164 = tpu.concatenate %broadcast_in_dim3A_47, %broadcast_in_dim3A_66, %broadcast_in_dim3A_85, %broadcast_in_dim3A_104 in 1 : vector<128x1xi32>, vector<128x1xi32>, vector<128x1xi32>, vector<128x1xi32> -> vector<128x4xi32>
      %or3A = arith.ori %shift_left3A_163, %concatenate3A_164 : vector<128x4xi32>
      %convert_element_type3A_165 = arith.fptosi %dot_general3A_160 : vector<1x128xf32> to vector<1x128xi32>
      %swap3A = arith.constant 0 : index
      %swap3A_166 = arith.constant 0 : index
      %swap3A_167 = vector.load %arg19[%swap3A, %swap3A_166] : memref<128x4xi32, #tpu.memory_space<vmem>>, vector<128x4xi32>
      tpu.vector_store %arg19[%swap3A, %swap3A_166], %or3A {strides = array<i32>} : memref<128x4xi32, #tpu.memory_space<vmem>>, vector<128x4xi32>,
      %swap3A_168 = arith.constant 0 : index
      %swap3A_169 = arith.constant 0 : index
      %swap3A_170 = vector.load %arg20[%swap3A_168, %swap3A_169] : memref<1x128xi32, #tpu.memory_space<vmem>>, vector<1x128xi32>
      tpu.vector_store %arg20[%swap3A_168, %swap3A_169], %convert_element_type3A_165 {strides = array<i32>} : memref<1x128xi32, #tpu.memory_space<vmem>>, vector<1x128xi32>,
    } else {
    }
    return
  }
  func.func @transform_0(%arg0: i32) -> (i32, i32) {
    %c0_i32 = arith.constant 0 : i32
    %c0_i32_0 = arith.constant 0 : i32
    %c0_i32_1 = arith.constant 0 : i32
    return %c0_i32, %c0_i32_0 : i32, i32
  }
  func.func @transform_1(%arg0: i32) -> (i32, i32) {
    %c0_i32 = arith.constant 0 : i32
    %c0_i32_0 = arith.constant 0 : i32
    %c0_i32_1 = arith.constant 0 : i32
    return %c0_i32, %c0_i32_0 : i32, i32
  }
  func.func @transform_2(%arg0: i32) -> (i32, i32) {
    %min3A = arith.constant 3 : i32
    %min3A_0 = arith.minsi %arg0, %min3A : i32
    %c0_i32 = arith.constant 0 : i32
    %c0_i32_1 = arith.constant 0 : i32
    return %min3A_0, %c0_i32 : i32, i32
  }
  func.func @transform_3(%arg0: i32) -> (i32, i32) {
    %c0_i32 = arith.constant 0 : i32
    %c0_i32_0 = arith.constant 0 : i32
    %c0_i32_1 = arith.constant 0 : i32
    return %c0_i32, %c0_i32_0 : i32, i32
  }
  func.func @transform_4(%arg0: i32) -> (i32, i32) {
    %c0_i32 = arith.constant 0 : i32
    %c0_i32_0 = arith.constant 0 : i32
    %c0_i32_1 = arith.constant 0 : i32
    return %c0_i32, %c0_i32_0 : i32, i32
  }
  func.func @transform_5(%arg0: i32) -> (i32, i32) {
    %c0_i32 = arith.constant 0 : i32
    %c0_i32_0 = arith.constant 0 : i32
    %c0_i32_1 = arith.constant 0 : i32
    return %c0_i32, %c0_i32_0 : i32, i32
  }
  func.func @transform_6(%arg0: i32) -> (i32, i32) {
    %c0_i32 = arith.constant 0 : i32
    %c0_i32_0 = arith.constant 0 : i32
    %c0_i32_1 = arith.constant 0 : i32
    return %c0_i32, %c0_i32_0 : i32, i32
  }
  func.func @transform_7(%arg0: i32) -> (i32, i32) {
    %c0_i32 = arith.constant 0 : i32
    %c0_i32_0 = arith.constant 0 : i32
    %c0_i32_1 = arith.constant 0 : i32
    return %c0_i32, %c0_i32_0 : i32, i32
  }
  func.func @transform_8(%arg0: i32) -> (i32, i32) {
    %c0_i32 = arith.constant 0 : i32
    %c0_i32_0 = arith.constant 0 : i32
    %c0_i32_1 = arith.constant 0 : i32
    return %c0_i32, %c0_i32_0 : i32, i32
  }
  func.func @transform_9(%arg0: i32) -> (i32, i32) {
    %c0_i32 = arith.constant 0 : i32
    %c0_i32_0 = arith.constant 0 : i32
    %c0_i32_1 = arith.constant 0 : i32
    return %c0_i32, %c0_i32_0 : i32, i32
  }
  func.func @transform_10(%arg0: i32) -> (i32, i32) {
    %c0_i32 = arith.constant 0 : i32
    %c0_i32_0 = arith.constant 0 : i32
    %c0_i32_1 = arith.constant 0 : i32
    return %c0_i32, %c0_i32_0 : i32, i32
  }
  func.func @transform_11(%arg0: i32) -> (i32, i32) {
    %c0_i32 = arith.constant 0 : i32
    %c0_i32_0 = arith.constant 0 : i32
    %c0_i32_1 = arith.constant 0 : i32
    return %c0_i32, %c0_i32_0 : i32, i32
  }
  func.func @transform_12(%arg0: i32) -> (i32, i32) {
    %c0_i32 = arith.constant 0 : i32
    %c0_i32_0 = arith.constant 0 : i32
    %c0_i32_1 = arith.constant 0 : i32
    return %c0_i32, %c0_i32_0 : i32, i32
  }
  func.func @transform_13(%arg0: i32) -> (i32, i32) {
    %c0_i32 = arith.constant 0 : i32
    %c0_i32_0 = arith.constant 0 : i32
    %c0_i32_1 = arith.constant 0 : i32
    return %c0_i32, %c0_i32_0 : i32, i32
  }
  func.func @transform_14(%arg0: i32) -> (i32, i32) {
    %min3A = arith.constant 3 : i32
    %min3A_0 = arith.minsi %arg0, %min3A : i32
    %c0_i32 = arith.constant 0 : i32
    %c0_i32_1 = arith.constant 0 : i32
    return %min3A_0, %c0_i32 : i32, i32
  }
  func.func @transform_15(%arg0: i32) -> (i32, i32) {
    %c0_i32 = arith.constant 0 : i32
    %c0_i32_0 = arith.constant 0 : i32
    %c0_i32_1 = arith.constant 0 : i32
    return %c0_i32, %c0_i32_0 : i32, i32
  }
  func.func @transform_16(%arg0: i32) -> (i32, i32) {
    %c0_i32 = arith.constant 0 : i32
    %c0_i32_0 = arith.constant 0 : i32
    %c0_i32_1 = arith.constant 0 : i32
    return %c0_i32, %c0_i32_0 : i32, i32
  }
  func.func @transform_17(%arg0: i32) -> (i32, i32) {
    %c0_i32 = arith.constant 0 : i32
    %c0_i32_0 = arith.constant 0 : i32
    %c0_i32_1 = arith.constant 0 : i32
    return %c0_i32, %c0_i32_0 : i32, i32
  }
  func.func @transform_18(%arg0: i32) -> (i32, i32) {
    %c0_i32 = arith.constant 0 : i32
    %c0_i32_0 = arith.constant 0 : i32
    %c0_i32_1 = arith.constant 0 : i32
    return %c0_i32, %c0_i32_0 : i32, i32
  }
  func.func @transform_19(%arg0: i32) -> (i32, i32) {
    %c0_i32 = arith.constant 0 : i32
    %c0_i32_0 = arith.constant 0 : i32
    %c0_i32_1 = arith.constant 0 : i32
    return %c0_i32, %c0_i32_0 : i32, i32
  }
}

</mosaic_0001>

<sc_bundles>
// kernel: kernel.4.cloned.1.call-start
scs
__scs_entry_jumppad:
0x0: {  	(pc) =	sbr.rel $0x88, $3  }
0x1: {  	(tag) =	ssettag $0x0;
	lr =	simm.s32 $0x1  }
0x2: {  	[smem:$0x3F93] =	sst lr;
	_ =	strace $0xD0000000  }
0x3: {  	_ = 	snop  }
0x4: {  	_ = 	snop  }
0x5: {  	_ = 	snop  }
0x6: {  	_ = 	snop  }
0x7: {  	_ = 	snop  }
__scs_overlays_trampoline_lowered:
0x8: {  	[smem:$0x3FA2] =	sst s0  }
0x9: {  	[smem:$0x3FA3] =	sst s1  }
0xa: {  	[smem:$0x3FA4] =	sst s2  }
0xb: {  	[smem:$0x3FA5] =	sst s3  }
0xc: {  	[smem:$0x3FA6] =	sst s4  }
0xd: {  	[smem:$0x3FA7] =	sst s5  }
0xe: {  	[smem:$0x3FA8] =	sst s6  }
0xf: {  	[smem:$0x3FA9] =	sst s7  }
0x10: {  	[smem:$0x3FAA] =	sst s8  }
0x11: {  	[smem:$0x3FAB] =	sst s9;
	s0 =	simm.s32 @!p0 $0x0  }
0x12: {  	s1 =	sld [smem:$0x3F91];
	s0 =	simm.s32 @p0 $0x1  }
0x13: {  	[smem:$0x3FAC] =	sst s0;
	s0 =	simm.s32 @!p1 $0x0  }
0x14: {  	s2 =	sld [smem:$0x3F90];
	s0 =	simm.s32 @p1 $0x1  }
0x15: {  	[smem:$0x3FAD] =	sst s0;
	s0 =	simm.s32 @!p2 $0x0  }
0x16: {  	s3 =	sld [smem:$0x3FDB];
	s0 =	simm.s32 @p2 $0x1  }
0x17: {  	s4 =	simm.s32 $0x1BF5;
	[smem:$0x3FAF] =	sst s0  }
0x18: {  	s0 =	sld [smem:$0x3F92];
	_ =	swait.ge [sflag:s4], $0x0  }
0x19: {  	s7 =	sld [smem:$0x3F93]  }
0x1a: {  	s8 =	sadd.s32 $0xFFFFE003, lr  }
0x1b: {  	s9 =	sadd.s32 $0xFFFFFEF7, lr;
	s5 =	simm.s32 $0xFFFFFFFF;
	p2 =	slt.u32 s8, $0xFFFFF086  }
0x1c: {  	p1 =	slt.u32 s9, $0xF7A;
	s5 =	simm.s32 @!p2 $0x0  }
0x1d: {  	s5 =	simm.s32 @p1 $0x1;
	p0 =	seq.s32 s7, s2  }
0x1e: {  	s7 =	smul.u32 @!p0 $0xF7A, s2;
	p2 =	seq.s32 @!p0 s5, $0x0  }
0x1f: {  	s9 =	smul.u32 $0xF7A, s1;
	s8 =	simm.s32 @!p0 $0x1BF5;
	p2 =	por !p2, p0  }
0x20: {  	[sflag:s8] =	ssyncset.s32 @!p0 $0xFFFFF086;
	s6 =	sadd.s32 @!p0 s3, s7;
	s7 =	simm.s32 @!p0 $0x108  }
0x21: {  	s3 =	sadd.s32 s3, s9;
	s6 =	sadd.s32 @!p0 $0x88, s6;
	s7 =	simm.s32 @p2 $0x1082  }
0x22: {  	[simem:s7], [sflag:s8] =	dma.local @!p0 [hbm:s6], $0xF7A  }
0x23: {  	s9 =	sor.u32 $0xD0000000, s2;
	s6 =	simm.s32 $0x108;
	_ =	swait.ge @!p0 [sflag:s8], $0x0  }
0x24: {  	s3 =	sadd.s32 $0x88, s3;
	s6 =	simm.s32 @!p1 $0x1082;
	[sflag:s4] =	ssyncset.s32 $0xFFFFF086  }
0x25: {  	[simem:s6], [sflag:s4] =	dma.local [hbm:s3], $0xF7A  }
0x26: {  	[smem:$0x3F93] =	sst s1;
	(tag) =	ssettag s2;
	_ =	strace s9  }
0x27: {  	s1 =	sld [smem:$0x3FA3]  }
0x28: {  	s2 =	sld [smem:$0x3FA4]  }
0x29: {  	s4 =	sld [smem:$0x3FA6]  }
0x2a: {  	p0 =	seq.s32 s5, $0x0;
	s5 =	sld [smem:$0x3FA7]  }
0x2b: {  	s6 =	sld [smem:$0x3FA8]  }
0x2c: {  	s7 =	sld [smem:$0x3FA9]  }
0x2d: {  	s3 =	simm.s32 $0x108;
	s8 =	sld [smem:$0x3FAA]  }
0x2e: {  	s3 =	simm.s32 @!p0 $0x1082;
	s9 =	sld [smem:$0x3FAB]  }
0x2f: {  	lr =	sadd.s32 s0, s3;
	s0 =	sld [smem:$0x3FA2]  }
0x30: {  	s3 =	sld [smem:$0x3FA5]  }
0x31: {  	[smem:$0x3FAE] =	sst s10  }
0x32: {  	s10 =	sld [smem:$0x3FAC];
	_ =	sdelay $0x3  }
0x33: {  	p0 =	seq.s32 s10, $0x1;
	s10 =	sld [smem:$0x3FAE];
	_ =	sdelay $0x3  }
0x34: {  	[smem:$0x3FAE] =	sst s10  }
0x35: {  	s10 =	sld [smem:$0x3FAD];
	_ =	sdelay $0x3  }
0x36: {  	p1 =	seq.s32 s10, $0x1;
	s10 =	sld [smem:$0x3FAE];
	_ =	sdelay $0x3  }
0x37: {  	[smem:$0x3FAE] =	sst s10  }
0x38: {  	s10 =	sld [smem:$0x3FAF]  }
0x39: {  	_ = 	snop;
	(pc) =	sbr.ind lr, $3  }
0x3a: {  	_ = 	snop  }
0x3b: {  	_ = 	snop  }
0x3c: {  	p2 =	seq.s32 s10, $0x1;
	s10 =	sld [smem:$0x3FAE]  }
0x3d: {  	_ =	shalt  }
0x3e: {  	_ =	shalt  }
0x3f: {  	_ =	shalt  }
0x40: {  	_ =	shalt  }
0x41: {  	_ =	shalt  }
0x42: {  	_ =	shalt  }
0x43: {  	_ =	shalt  }
0x44: {  	_ =	shalt  }
0x45: {  	_ =	shalt  }
0x46: {  	_ =	shalt  }
0x47: {  	_ =	shalt  }
0x48: {  	_ =	shalt  }
0x49: {  	_ =	shalt  }
0x4a: {  	_ =	shalt  }
0x4b: {  	_ =	shalt  }
0x4c: {  	_ =	shalt  }
0x4d: {  	_ =	shalt  }
0x4e: {  	_ =	shalt  }
0x4f: {  	_ =	shalt  }
0x50: {  	_ =	shalt  }
0x51: {  	_ =	shalt  }
0x52: {  	_ =	shalt  }
0x53: {  	_ =	shalt  }
0x54: {  	_ =	shalt  }
0x55: {  	_ =	shalt  }
0x56: {  	_ =	shalt  }
0x57: {  	_ =	shalt  }
0x58: {  	_ =	shalt  }
0x59: {  	_ =	shalt  }
0x5a: {  	_ =	shalt  }
0x5b: {  	_ =	shalt  }
0x5c: {  	_ =	shalt  }
0x5d: {  	_ =	shalt  }
0x5e: {  	_ =	shalt  }
0x5f: {  	_ =	shalt  }
0x60: {  	_ =	shalt  }
0x61: {  	_ =	shalt  }
0x62: {  	_ =	shalt  }
0x63: {  	_ =	shalt  }
0x64: {  	_ =	shalt  }
0x65: {  	_ =	shalt  }
0x66: {  	_ =	shalt  }
0x67: {  	_ =	shalt  }
0x68: {  	_ =	shalt  }
0x69: {  	_ =	shalt  }
0x6a: {  	_ =	shalt  }
0x6b: {  	_ =	shalt  }
0x6c: {  	_ =	shalt  }
0x6d: {  	_ =	shalt  }
0x6e: {  	_ =	shalt  }
0x6f: {  	_ =	shalt  }
0x70: {  	_ =	shalt  }
0x71: {  	_ =	shalt  }
0x72: {  	_ =	shalt  }
0x73: {  	_ =	shalt  }
0x74: {  	_ =	shalt  }
0x75: {  	_ =	shalt  }
0x76: {  	_ =	shalt  }
0x77: {  	_ =	shalt  }
0x78: {  	_ =	shalt  }
0x79: {  	_ =	shalt  }
0x7a: {  	_ =	shalt  }
0x7b: {  	_ =	shalt  }
0x7c: {  	_ =	shalt  }
0x7d: {  	_ =	shalt  }
0x7e: {  	_ =	shalt  }
0x7f: {  	_ =	shalt  }
0x80: {  	_ =	shalt  }
0x81: {  	_ =	shalt  }
0x82: {  	_ =	shalt  }
0x83: {  	_ =	shalt  }
0x84: {  	_ =	shalt  }
0x85: {  	_ =	shalt  }
0x86: {  	_ =	shalt  }
0x87: {  	_ =	shalt  }
.Lfunc_end0:
.L_simem_size_0:
called_computation_lowered:
.L_overlay_start_0:
0x88: {  	s2 =	sld [smem:$0x3FD9]  }
0x89: {  	s3 =	sld [smem:$0x3FFE];
	_ =	sdelay $0x1  }
0x8a: {  	s1 =	srdreg.scid  }
0x8b: {  	s0 =	sand.u32 $0x1, s1  }
0x8c: {  	s14 =	sshll.u32 s0, $0xA;
	s2 =	sadd.s32 s3, s2  }
0x8d: {  	s2 =	sadd.s32 s2, s14  }
0x8e: {  	[smem:$0x3FBA] =	sst s2  }
0x8f: {  	_ = 	snop  }
0x90: {  	s2 =	sld [smem:$0x3FD0];
	_ =	sdelay $0x2  }
0x91: {  	s15 =	simm.s32 $0xA;
	s4 =	simm.s32 $0x10  }
0x92: {  	[smem:s4], [sflag:s15] =	dma.local [hbm:s2], $0x1  }
0x93: {  	_ =	swait.eq [sflag:s15], $0x1  }
0x94: {  	s16 =	sld [smem:$0x10];
	[sflag:s15] =	ssyncset.done $0x0  }
0x95: {  	s17 =	sld [smem:$0x11];
	[sflag:s15] =	ssyncadd.s32 $0xFFFFFFFF  }
0x96: {  	s18 =	sld [smem:$0x12];
	(tm) =	ssettm $0x1  }
0x97: {  	s5 =	sld [smem:$0x3FFB];
	_ =	sdelay $0x3  }
0x98: {  	_ =	strace s5  }
0x99: {  	s5 =	sld [smem:$0x3FFC];
	_ =	sdelay $0x3  }
0x9a: {  	_ =	strace s5  }
0x9b: {  	s5 =	sld [smem:$0x3FFD];
	_ =	sdelay $0x3  }
0x9c: {  	_ =	strace s5  }
0x9d: {  	_ =	strace $0x8FFFFFFF  }
0x9e: {  	s19 =	sld [smem:$0x3FDB];
	_ =	sdelay $0x1  }
0x9f: {  	s6 =	simm.s32 $_scs_section_size  }
0xa0: {  	s7 =	simm.s32 $_size__tile_overlayer_lowered;
	s8 =	simm.s32 $_tile_overlayer_lowered  }
0xa1: {  	s22 =	simm.s32 $0x1BFF;
	s21 =	sshll.u32 s8, $0x1;
	s5 =	sadd.s32 s6, s19  }
0xa2: {  	s9 =	simm.s32 $0x0;
	s20 =	sshll.u32 s7, $0x1;
	s7 =	sadd.s32 s21, s5  }
0xa3: {  	[timem:s9], [sflag:s22] =	dma.local [hbm:s7], s20  }
0xa4: {  	_ =	swait.ge [sflag:s22], s20  }
0xa5: {  	s6 =	ssub.s32 $0x0, s20;
	[sflag:s22] =	ssyncset.done $0x0  }
0xa6: {  	[sflag:s22] =	ssyncadd.s32 s6;
	_ =	sdelay $0x1  }
0xa7: {  	s23 =	simm.s32 $0x1B8B  }
0xa8: {  	_ =	swait.ge [sflag:s23], $0x1  }
0xa9: {  	[sflag:s23] =	ssyncset.done $0x0  }
0xaa: {  	s25 =	simm.s32 $0x1B8E;
	s24 =	sld [smem:$0x3FFE];
	[sflag:s23] =	ssyncadd.s32 $0xFFFFFFFF  }
0xab: {  	s26 =	simm.s32 $execute0_lowered;
	[smem:$0x3FD2] =	sst s25  }
0xac: {  	s7 =	sshll.u32 s26, $0x1;
	_ =	strace $0x80000046;
	[dreg:$0x1] =	wrdreg $0xFFFFFFFF  }
0xad: {  	s28 =	simm.s32 $_size_execute0_lowered;
	s5 =	sadd.s32 s5, s7;
	[dreg:$0x0] =	wrdreg $0x0  }
0xae: {  	s7 =	sshll.u32 s28, $0x1;
	[dreg:$0x2] =	wrdreg s5  }
0xaf: {  	[dreg:$0x3] =	wrdreg s7  }
0xb0: {  	[dreg:$0x4] =	wrdreg $0xC0  }
0xb1: {  	_ =	task [dreg:s9], $0x5FFFF  }
0xb2: {  	[dreg:$0x1] =	wrdreg $0xFFFFFFFF  }
0xb3: {  	[dreg:$0x0] =	wrdreg $0x60  }
0xb4: {  	[dreg:$0x2] =	wrdreg s16  }
0xb5: {  	[dreg:$0x3] =	wrdreg s18  }
0xb6: {  	[dreg:$0x4] =	wrdreg s17  }
0xb7: {  	[dreg:$0x5] =	wrdreg s24  }
0xb8: {  	[dreg:$0x6] =	wrdreg $0x9  }
0xb9: {  	_ =	task.clear_ibuf [dreg:s9], $0x7FFFF;
	_ =	strace $0x90000046  }
0xba: {  	s29 =	simm.s32 $0x9;
	_ =	strace $0x80000048  }
0xbb: {  	_ =	swait.ge [sflag:s29], $0x1  }
0xbc: {  	[sflag:s29] =	ssyncadd.s32 $0xFFFFFFFF  }
0xbd: {  	_ =	strace $0x90000048  }
0xbe: {  	_ =	sfence  }
0xbf: {  	s30 =	sld [smem:$0x0];
	_ =	sdelay $0x2  }
0xc0: {  	s31 =	sshll.u32 s1, $0xD;
	s1 =	sshrl.u32 s1, $0x2  }
0xc1: {  	s3 =	sand.u32 $0x4000, s31;
	s1 =	sadd.s32 s1, s30  }
0xc2: {  	s0 =	sor.u32 s3, s0;
	s1 =	sshll.u32 s1, $0x11  }
0xc3: {  	s0 =	sor.u32 s1, s0  }
0xc4: {  	s0 =	sadd.s32 $0x8F2B, s0  }
0xc5: {  	[sflag:s0] =	ssyncadd.remote.s32 $0x1  }
0xc6: {  	_ =	sfence.sel $0xFFFF  }
0xc7: {  	[dreg:$0x0] =	wrdreg $0xFFFFFFFF;
	(pc) =	sbr.abs _section_cstart, $3  }
0xc8: {  	[dreg:$0x1] =	wrdreg $0xFFFFFFFF  }
0xc9: {  	_ =	task.clear_ibuf [dreg:s9], $0x2FFFF;
	_ =	strace $0x9FFFFFFF  }
0xca: {  	(tm) =	ssettm $0x7FFFFFFF  }
0xcb: {  	_ =	shalt  }
tec
execute0_lowered:
.L_overlay_start_1:
0x0: {  	(tag) =	ssettag $0x1  }
0x1: {  	s0 =	rddreg [dreg:$0x3]  }
0x2: {  	s4 =	simm.s32 $0x0;
	s11 =	stileid.u32;
	s23 =	srdreg.scid  }
0x3: {  	s16 =	simm.s32 $0x200;
	s17 =	simm.s32 $0x300;
	s20 =	simm.s32 $0x1  }
0x4: {  	s21 =	simm.s32 $0x3180;
	s22 =	simm.s32 $0x3200;
	s28 =	simm.s32 $0x2D80  }
0x5: {  	s29 =	simm.s32 $0x2F80;
	s30 =	simm.s32 $0x0;
	[smem:$0x7FF] =	sst s4  }
0x6: {  	s1 =	sadd.s32 $0x2800, s0;
	s7 =	sadd.s32 $0x2C00, s0;
	s8 =	sadd.s32 $0x2A00, s0  }
0x7: {  	s2 =	sshll.u32 s11, $0x6;
	s3 =	sshll.u32 s11, $0x4;
	s6 =	sshll.u32 s11, $0x2  }
0x8: {  	s24 =	sshll.u32 s11, $0x9;
	s26 =	sshll.u32 s11, $0x7;
	s18 =	sshll.u32 s11, $0x5  }
0x9: {  	_ =	strace $0x80000047;
	[dreg:$0x5] =	wrdreg s1;
	s1 =	sand.u32 $0x1, s23  }
0xa: {  	s2 =	sadd.s32 s2, s0;
	s3 =	sadd.s32 s3, s0;
	s0 =	sadd.s32 s6, s0  }
0xb: {  	s25 =	sadd.s32 $0x200, s24;
	s19 =	sadd.s32 $0x80, s26;
	s31 =	sadd.s32 $0x20, s18  }
.Ltmp0:
0xc: {  	v0 =	vmov s24;
	s23 =	simm.s32 $0x3280;
	s24 =	simm.s32 $0x3300;
	(pc) =	sbr.rel .LBB2_1-.Ltmp0, $4  }
0xd: {  	s5 =	ssub.s32 $0x2, s1;
	p0 =	seq.s32 s1, $0x1;
	s10 =	sadd.s32 $0x3200, s2  }
0xe: {  	v6 =	vlaneseq.u32;
	s11 =	sadd.s32 $0x3A00, s3;
	s12 =	sadd.s32 $0x3C00, s3;
	s9 =	sshrl.u32 s5, $0x1  }
0xf: {  	v6 =	vshrl.u32 v6, $0x2;
	v2 =	vmov s26;
	v4 =	vmov s18;
	s13 =	sadd.s32 $0x3600, s0;
	s14 =	sadd.s32 $0x3800, s0;
	s5 =	ssub.s32 s5, s9  }
0x10: {  	v1 =	vmov s25;
	v3 =	vmov s19;
	s25 =	simm.s32 $0x2;
	v5 =	vmov s31;
	s9 =	sadd.s32 $0x2E00, s2;
	s15 =	smax.u32 s5, $0x1  }
.LBB2_9:
0x11: {  	_ =	sdelay $0x1  }
0x12: {  	vm4 =	vge.s32 v32, v4  }
0x13: {  	vm7 =	vlt.s32 v32, v5;
	v25 =	vadd.s32 v31, v25;
	vm2 =	vmand vm6, vm2  }
0x14: {  	v52 =	vsub.s32 v32, v4;
	v58 =	vsub.s32 v22, v4;
	vm4 =	vmand vm4, vm7  }
0x15: {  	[tilespmem:v29+s24+$0x0] =	vst.idx.msk vm5, v7;
	v53 =	vadd.s32 v27, v28;
	vm15 =	vge.s32 v25, v4  }
0x16: {  	s1 =	sadd.s32 $0xFFFFFFE4, s31;
	vm8 =	vlt.s32 v25, v5;
	v7 =	vsub.s32 v25, v4;
	vm12 =	vlt.s32 v53, v5  }
0x17: {  	[tilespmem:v26+s23+$0x0] =	vst.idx.msk vm3, v21;
	vm13 =	vge.s32 v53, v4;
	v60 =	vor.u32 s1, v6;
	vm5 =	vmand vm15, vm8  }
0x18: {  	[tilespmem:v26+s24+$0x0] =	vst.idx.msk vm3, v9;
	vm7 =	vmand vm13, vm12;
	vm15 =	vge.s32 v24, v4;
	vm12 =	vlt.s32 v24, v5  }
0x19: {  	v23 =	vadd.s32 v23, v30;
	v57 =	vsub.s32 v24, v4;
	vm13 =	vmand vm15, vm12;
	[tilespmem:v58+s23+$0x0] =	vst.idx.msk vm2, v60  }
0x1a: {  	v11 =	vshra.s32 v11, $0xA;
	vm9 =	vge.s32 v23, v4;
	vm14 =	vlt.s32 v23, v5;
	[tilespmem:v52+s23+$0x0] =	vst.idx.msk vm4, v19  }
0x1b: {  	v56 =	vor.u32 s31, v6;
	v54 =	vsub.s32 v53, v4;
	v11 =	vadd.s32 v11, v20;
	[tilespmem:v58+s24+$0x0] =	vst.idx.msk vm2, v10  }
0x1c: {  	vm3 =	vmand vm9, vm14;
	vm14 =	vge.s32 v11, v4;
	vm15 =	vlt.s32 v11, v5;
	[tilespmem:v52+s24+$0x0] =	vst.idx.msk vm4, v14  }
0x1d: {  	vm0 =	vmand vm0, vm1;
	s19 =	sadd.s32 $0xFFFFFFEC, s31;
	v55 =	vsub.s32 v23, v4;
	vm1 =	vmand vm14, vm15;
	[tilespmem:v7+s23+$0x0] =	vst.idx.msk vm5, v56  }
0x1e: {  	s0 =	sadd.s32 $0xFFFFFFF0, s31;
	v59 =	vor.u32 s19, v6;
	v61 =	vsub.s32 v11, v4;
	[tilespmem:v7+s24+$0x0] =	vst.idx.msk vm5, v13  }
0x1f: {  	v7 =	vor.u32 s0, v6;
	[tilespmem:v57+s23+$0x0] =	vst.idx.msk vm13, v59  }
0x20: {  	s18 =	sadd.s32 $0xFFFFFFF8, s31;
	[tilespmem:v54+s23+$0x0] =	vst.idx.msk vm7, v7  }
0x21: {  	s26 =	sadd.s32 $0xFFFFFFE8, s31;
	s31 =	sadd.s32 $0xFFFFFFF4, s31;
	v7 =	vor.u32 s18, v6;
	[tilespmem:v57+s24+$0x0] =	vst.idx.msk vm13, v12  }
0x22: {  	v63 =	vor.u32 s31, v6;
	[tilespmem:v55+s23+$0x0] =	vst.idx.msk vm3, v7;
	v7 =	vsub.s32 v18, v4  }
0x23: {  	[tilespmem:v61+s23+$0x0] =	vst.idx.msk vm1, v63  }
0x24: {  	[tilespmem:v54+s24+$0x0] =	vst.idx.msk vm7, v15  }
0x25: {  	[tilespmem:v61+s24+$0x0] =	vst.idx.msk vm1, v16  }
0x26: {  	v62 =	vor.u32 s26, v6;
	[tilespmem:v55+s24+$0x0] =	vst.idx.msk vm3, v17  }
0x27: {  	[tilespmem:v7+s23+$0x0] =	vst.idx.msk vm0, v62  }
0x28: {  	[tilespmem:v7+s24+$0x0] =	vst.idx.msk vm0, v8  }
0x29: {  	[hbm4b:s13+s4] =	stream.linear.scatter [tilespmem:s23], [sflag:$0x2], $0x20, $0x38;
	[tilespmem:$0x3380] =	vst v63  }
0x2a: {  	_ = 	snop  }
0x2b: {  	[hbm4b:s14+s4] =	stream.linear.scatter [tilespmem:s24], [sflag:$0x2], $0x20, $0x38;
	[tilespmem:$0x3380] =	vst v63  }
0x2c: {  	_ =	swait.ge [sflag:s25], $0x80  }
0x2d: {  	[sflag:s25] =	ssyncset.done $0x0  }
0x2e: {  	[sflag:s25] =	ssyncadd.s32 $0xFFFFFF80  }
0x2f: {  	_ =	swait.ge [sflag:s25], $0x80  }
0x30: {  	[sflag:s25] =	ssyncset.done $0x0  }
0x31: {  	[sflag:s25] =	ssyncadd.s32 $0xFFFFFF80  }
0x32: {  	_ =	swait.ge [sflag:s25], $0x20  }
0x33: {  	[sflag:s25] =	ssyncset.done $0x0  }
0x34: {  	[sflag:s25] =	ssyncadd.s32 $0xFFFFFFE0  }
0x35: {  	_ =	swait.ge [sflag:s25], $0x20  }
0x36: {  	[sflag:s25] =	ssyncset.done $0x0  }
0x37: {  	[sflag:s25] =	ssyncadd.s32 $0xFFFFFFE0  }
.LBB2_10:
0x38: {  	s30 =	sadd.s32 $0x1, s30  }
0x39: {  	p1 =	sne.s32 s30, s15  }
.Ltmp1:
0x3a: {  	_ = 	snop;
	(pc) =	sbr.rel @!p1 .LBB2_11-.Ltmp1, $1  }
0x3b: {  	_ =	sdelay $0x3  }
.LBB2_1:
.Ltmp2:
0x3c: {  	(pc) =	sbr.rel @!p0 .LBB2_2-.Ltmp2, $1  }
0x3d: {  	_ =	sdelay $0x3  }
0x3e: {  	s0 =	rddreg [dreg:$0x5]  }
0x3f: {  	[tilespmem:s16], [sflag:$0x1] =	stream.linear.gather [hbm4b:s0+s4], $0x100, $0x38;
	[tilespmem:$0x3380] =	vst v63  }
0x40: {  	_ = 	snop  }
0x41: {  	[tilespmem:s17], [sflag:$0x1] =	stream.linear.gather [hbm4b:s8+s4], $0x80, $0x38;
	[tilespmem:$0x3380] =	vst v63  }
0x42: {  	s19 =	rddreg [dreg:$0x2];
	s1 =	simm.s32 $0x2380  }
0x43: {  	[tilespmem:s1], [sflag:$0x1] =	stream.linear.gather [hbm4b:s19+s4], $0x800, $0x38;
	[tilespmem:$0x3380] =	vst v63  }
0x44: {  	s26 =	simm.s32 $0x2B80  }
0x45: {  	[tilespmem:s26], [sflag:$0x1] =	stream.linear.gather [hbm4b:s7+s4], $0x200, $0x38;
	[tilespmem:$0x3380] =	vst v63  }
0x46: {  	_ =	swait.ge [sflag:s20], $0x100  }
0x47: {  	[sflag:s20] =	ssyncset.done $0x0  }
0x48: {  	[sflag:s20] =	ssyncadd.s32 $0xFFFFFF00  }
0x49: {  	_ =	swait.ge [sflag:s20], $0x80  }
0x4a: {  	[sflag:s20] =	ssyncset.done $0x0  }
0x4b: {  	[sflag:s20] =	ssyncadd.s32 $0xFFFFFF80  }
0x4c: {  	_ =	swait.ge [sflag:s20], $0x800  }
0x4d: {  	[sflag:s20] =	ssyncset.done $0x0  }
0x4e: {  	[sflag:s20] =	ssyncadd.s32 $0xFFFFF800  }
0x4f: {  	_ =	swait.ge [sflag:s20], $0x200  }
0x50: {  	[sflag:s20] =	ssyncset.done $0x0  }
0x51: {  	s1 =	simm.s32 $0x23C0;
	[sflag:s20] =	ssyncadd.s32 $0xFFFFFE00  }
0x52: {  	v11 =	vld [tilespmem:s1+$0x30]  }
0x53: {  	v12 =	vld [tilespmem:s1+$0xFFFFFFD0]  }
0x54: {  	v13 =	vld [tilespmem:s1+$0xFFFFFFE0]  }
0x55: {  	v14 =	vld [tilespmem:s1+$0xFFFFFFF0]  }
0x56: {  	v15 =	vld [tilespmem:s1+$0x0]  }
0x57: {  	v16 =	vld [tilespmem:s1+$0x10];
	v21 =	vand.u32 $0x3FF, v11  }
0x58: {  	v18 =	vld [tilespmem:s1+$0xFFFFFFC0];
	v26 =	vand.u32 $0x3FF, v12  }
0x59: {  	v23 =	vand.u32 $0x3FF, v13  }
0x5a: {  	s3 =	simm.s32 $0x2440;
	v17 =	vld [tilespmem:s1+$0x20];
	v10 =	vand.u32 $0x3FF, v14  }
0x5b: {  	v31 =	vld [tilespmem:s3+$0x30];
	v8 =	vand.u32 $0x3FF, v15  }
0x5c: {  	v9 =	vand.u32 $0x3FF, v16;
	v19 =	vld.idx.msk [tilespmem:v21+s16+$0x0], $0xffff  }
0x5d: {  	v27 =	vand.u32 $0x3FF, v18;
	v20 =	vld.idx.msk [tilespmem:v26+s16+$0x0], $0xffff  }
0x5e: {  	v22 =	vld.idx.msk [tilespmem:v23+s16+$0x0], $0xffff  }
0x5f: {  	v24 =	vld.idx.msk [tilespmem:v10+s16+$0x0], $0xffff  }
0x60: {  	s6 =	simm.s32 $0x4;
	v25 =	vld.idx.msk [tilespmem:v8+s16+$0x0], $0xffff  }
0x61: {  	v53 =	vor.u32 s6, v6;
	v28 =	vld.idx.msk [tilespmem:v9+s16+$0x0], $0xffff  }
0x62: {  	v7 =	vand.u32 $0x3FF, v17;
	v12 =	vshra.s32 v12, $0xA;
	v13 =	vshra.s32 v13, $0xA;
	v29 =	vld.idx.msk [tilespmem:v27+s16+$0x0], $0xffff  }
0x63: {  	v14 =	vshra.s32 v14, $0xA;
	v11 =	vshra.s32 v11, $0xA;
	v15 =	vshra.s32 v15, $0xA  }
0x64: {  	v16 =	vshra.s32 v16, $0xA;
	v17 =	vshra.s32 v17, $0xA;
	v18 =	vshra.s32 v18, $0xA  }
0x65: {  	v39 =	vand.u32 $0x3FF, v31;
	v31 =	vshra.s32 v31, $0xA;
	v11 =	vadd.s32 v11, v19  }
0x66: {  	v12 =	vadd.s32 v12, v20;
	v13 =	vadd.s32 v13, v22;
	v14 =	vadd.s32 v14, v24  }
0x67: {  	s2 =	simm.s32 $0x1C;
	v15 =	vadd.s32 v15, v25;
	v16 =	vadd.s32 v16, v28;
	v18 =	vadd.s32 v18, v29  }
0x68: {  	v29 =	vor.u32 s2, v6;
	vm0 =	vge.s32 v11, v2;
	vm1 =	vlt.s32 v11, v3  }
0x69: {  	v30 =	vsub.s32 v11, v2;
	v11 =	vand.u32 $0x7F, v11;
	v20 =	vsub.s32 v13, v2  }
0x6a: {  	v24 =	vsub.s32 v14, v2;
	v28 =	vsub.s32 v16, v2;
	vm13 =	vge.s32 v12, v2  }
0x6b: {  	vm14 =	vlt.s32 v12, v3;
	vm4 =	vge.s32 v13, v2;
	vm12 =	vlt.s32 v13, v3  }
0x6c: {  	vm10 =	vge.s32 v14, v2;
	vm11 =	vlt.s32 v14, v3;
	vm8 =	vge.s32 v15, v2  }
0x6d: {  	v19 =	vld.idx.msk [tilespmem:v7+s16+$0x0], $0xffff;
	vm9 =	vlt.s32 v15, v3;
	vm6 =	vge.s32 v16, v2;
	vm7 =	vlt.s32 v16, v3  }
0x6e: {  	v13 =	vand.u32 $0x7F, v13;
	v14 =	vand.u32 $0x7F, v14;
	vm5 =	vmand vm0, vm1  }
0x6f: {  	v32 =	vld [tilespmem:s3+$0xFFFFFFD0];
	v30 =	vand.u32 $0xFFFFFF80, v30;
	vm0 =	vge.s32 v18, v2;
	vm1 =	vlt.s32 v18, v3  }
0x70: {  	v34 =	vld [tilespmem:s3+$0xFFFFFFF0];
	vm10 =	vmand vm10, vm11;
	v22 =	vor.u32 v11, v30;
	v11 =	vsub.s32 v12, v2  }
0x71: {  	v37 =	vld [tilespmem:s3+$0x0];
	vm8 =	vmand vm8, vm9;
	v12 =	vand.u32 $0x7F, v12;
	v11 =	vand.u32 $0xFFFFFF80, v11  }
0x72: {  	v41 =	vld [tilespmem:s3+$0x20];
	v17 =	vadd.s32 v17, v19;
	v38 =	vor.u32 v12, v11;
	v11 =	vimm.s32 $0x0  }
0x73: {  	v30 =	vsub.s32 v18, v2;
	v12 =	vld [tilespmem:s3+$0x10];
	v19 =	vsub.s32 v17, v2;
	v11 =	vsel vm10, $0xFFFFFFFF, v11  }
0x74: {  	v18 =	vand.u32 $0x7F, v18;
	v33 =	vand.u32 $0xFFFFFF80, v19;
	v19 =	vld [tilespmem:s3+$0xFFFFFFE0];
	[tilespmem:$0x1FFC0] =	vst v11;
	v11 =	vimm.s32 $0x0  }
0x75: {  	vm1 =	vmand vm0, vm1;
	v30 =	vand.u32 $0xFFFFFF80, v30;
	v11 =	vsel vm8, $0xFFFFFFFF, v11  }
0x76: {  	v35 =	vand.u32 $0x7F, v16;
	v16 =	vand.u32 $0x3FF, v34;
	v30 =	vor.u32 v18, v30;
	v42 =	vld [tilespmem:s3+$0xFFFFFFC0];
	[tilespmem:$0x1FFA0] =	vst v11  }
0x77: {  	v20 =	vand.u32 $0xFFFFFF80, v20;
	v24 =	vand.u32 $0xFFFFFF80, v24;
	vm6 =	vmand vm6, vm7;
	v45 =	vld.idx.msk [tilespmem:v39+s16+$0x0], $0xffff  }
0x78: {  	v11 =	vand.u32 $0x3FF, v12;
	v44 =	vshra.s32 v12, $0xA;
	v12 =	vimm.s32 $0x0  }
0x79: {  	s5 =	simm.s32 $0x0;
	vm4 =	vmand vm4, vm12;
	vm0 =	vmand vm13, vm14;
	v12 =	vsel vm6, $0xFFFFFFFF, v12  }
0x7a: {  	v40 =	vor.u32 v13, v20;
	v20 =	vor.u32 v14, v24;
	v24 =	vor.u32 s5, v6;
	[tilespmem:$0x1FFB0] =	vst v12  }
0x7b: {  	v13 =	vand.u32 $0x3FF, v32;
	vm2 =	vge.s32 v17, v2;
	vm3 =	vlt.s32 v17, v3;
	[tilespmem:v30+s21+$0x0] =	vst.idx.msk vm1, v24  }
0x7c: {  	v14 =	vand.u32 $0x3FF, v37;
	vm3 =	vmand vm2, vm3;
	[tilespmem:v30+s22+$0x0] =	vst.idx.msk vm1, v27;
	v31 =	vadd.s32 v31, v45  }
0x7d: {  	vm1 =	vge.s32 v31, v2;
	vm2 =	vlt.s32 v31, v3;
	v30 =	vsub.s32 v31, v2  }
0x7e: {  	s2 =	simm.s32 $0x8;
	[tilespmem:v22+s21+$0x0] =	vst.idx.msk vm5, v29;
	v31 =	vand.u32 $0x7F, v31;
	vm1 =	vmand vm1, vm2;
	v49 =	vand.u32 $0xFFFFFF80, v30  }
0x7f: {  	s18 =	simm.s32 $0xC;
	s31 =	simm.s32 $0x3C;
	v54 =	vor.u32 s2, v6;
	[tilespmem:v38+s21+$0x0] =	vst.idx.msk vm0, v53;
	v57 =	vor.u32 v31, v49  }
0x80: {  	v47 =	vor.u32 s18, v6;
	v62 =	vor.u32 s31, v6;
	v25 =	vsub.s32 v15, v2;
	[tilespmem:v40+s21+$0x0] =	vst.idx.msk vm4, v54  }
0x81: {  	v15 =	vand.u32 $0x7F, v15;
	v34 =	vshra.s32 v34, $0xA;
	v25 =	vand.u32 $0xFFFFFF80, v25;
	v46 =	vld.idx.msk [tilespmem:v13+s16+$0x0], $0xffff;
	[tilespmem:v22+s22+$0x0] =	vst.idx.msk vm5, v21  }
0x82: {  	v28 =	vand.u32 $0xFFFFFF80, v28;
	v36 =	vand.u32 $0x7F, v17;
	v17 =	vand.u32 $0x3FF, v19;
	v29 =	vld.idx.msk [tilespmem:v16+s16+$0x0], $0xffff;
	[tilespmem:v38+s22+$0x0] =	vst.idx.msk vm0, v26  }
0x83: {  	v32 =	vshra.s32 v32, $0xA;
	v37 =	vshra.s32 v37, $0xA;
	s3 =	simm.s32 $0x10;
	v12 =	vand.u32 $0x3FF, v41;
	v55 =	vld.idx.msk [tilespmem:v14+s16+$0x0], $0xffff;
	[tilespmem:v40+s22+$0x0] =	vst.idx.msk vm4, v23  }
0x84: {  	v18 =	vor.u32 v15, v25;
	v25 =	vor.u32 s3, v6;
	v15 =	vand.u32 $0x3FF, v42;
	[tilespmem:v57+s21+$0x0] =	vst.idx.msk vm1, v62  }
0x85: {  	s19 =	simm.s32 $0x14;
	v43 =	vshra.s32 v19, $0xA;
	v41 =	vshra.s32 v41, $0xA;
	v19 =	vor.u32 v35, v28;
	v48 =	vld.idx.msk [tilespmem:v11+s16+$0x0], $0xffff;
	[tilespmem:v57+s22+$0x0] =	vst.idx.msk vm1, v39  }
0x86: {  	s26 =	simm.s32 $0x18;
	v52 =	vshra.s32 v42, $0xA;
	v24 =	vor.u32 s19, v6;
	v21 =	vor.u32 v36, v33;
	v23 =	vld [tilespmem:$0x1FFC0]  }
0x87: {  	v22 =	vor.u32 s26, v6;
	v28 =	vld.idx.msk [tilespmem:v17+s16+$0x0], $0xffff;
	v32 =	vadd.s32 v32, v46;
	v31 =	vadd.s32 v34, v29  }
0x88: {  	v27 =	vld.idx.msk [tilespmem:v12+s16+$0x0], $0xffff;
	v29 =	vadd.s32 v37, v55;
	v58 =	vsub.s32 v32, v2;
	v60 =	vsub.s32 v31, v2  }
0x89: {  	v56 =	vld.idx.msk [tilespmem:v15+s16+$0x0], $0xffff;
	v61 =	vsub.s32 v29, v2;
	vm14 =	vge.s32 v32, v2;
	vm15 =	vlt.s32 v32, v3  }
0x8a: {  	vm10 =	vge.s32 v31, v2;
	vm11 =	vlt.s32 v31, v3;
	vm7 =	vge.s32 v29, v2  }
0x8b: {  	vm8 =	vlt.s32 v29, v3;
	v26 =	vand.u32 $0xFFFFFF80, v58;
	vm4 =	vnez.u8 v23  }
0x8c: {  	v36 =	vand.u32 $0xFFFFFF80, v60;
	v35 =	vand.u32 $0xFFFFFF80, v61;
	v30 =	vadd.s32 v43, v28  }
0x8d: {  	v28 =	vadd.s32 v44, v48;
	v27 =	vadd.s32 v41, v27;
	v59 =	vsub.s32 v30, v2  }
0x8e: {  	v34 =	vsub.s32 v28, v2;
	v37 =	vadd.s32 v52, v56;
	v33 =	vsub.s32 v27, v2  }
0x8f: {  	s0 =	simm.s32 $0x8;
	s6 =	simm.s32 $0x20;
	s18 =	simm.s32 $0x28;
	vm12 =	vge.s32 v30, v2;
	vm13 =	vlt.s32 v30, v3;
	vm5 =	vge.s32 v28, v2  }
0x90: {  	s1 =	simm.s32 $0x30;
	s2 =	simm.s32 $0x38;
	s5 =	simm.s32 $0x34;
	vm6 =	vlt.s32 v28, v3;
	vm9 =	vge.s32 v37, v2;
	v63 =	vsub.s32 v37, v2  }
0x91: {  	s3 =	simm.s32 $0x24C0;
	s19 =	simm.s32 $0x2C;
	s26 =	simm.s32 $0x24;
	vm0 =	vlt.s32 v37, v3;
	v39 =	vand.u32 $0xFFFFFF80, v59;
	v38 =	vand.u32 $0xFFFFFF80, v63;
	[tilespmem:v20+s21+$0x0] =	vst.idx.msk vm4, v47  }
.LBB2_6:
0x92: {  	[tilespmem:v20+s22+$0x0] =	vst.idx.msk vm4, v10;
	v10 =	vld [tilespmem:$0x1FFA0];
	_ =	sdelay $0x4  }
0x93: {  	vm4 =	vnez.u8 v10;
	_ =	sdelay $0x5  }
0x94: {  	v20 =	vld [tilespmem:s3+$0xFFFFFFD0];
	[tilespmem:v18+s21+$0x0] =	vst.idx.msk vm4, v25  }
0x95: {  	[tilespmem:v18+s22+$0x0] =	vst.idx.msk vm4, v8;
	v18 =	vld [tilespmem:$0x1FFB0]  }
0x96: {  	v34 =	vand.u32 $0xFFFFFF80, v34;
	vm1 =	vge.s32 v27, v2  }
0x97: {  	v40 =	vld [tilespmem:s3+$0x30];
	vm2 =	vlt.s32 v27, v3;
	v37 =	vand.u32 $0x7F, v37;
	v32 =	vand.u32 $0x7F, v32;
	[tilespmem:v21+s21+$0x0] =	vst.idx.msk vm3, v22  }
0x98: {  	v33 =	vand.u32 $0xFFFFFF80, v33;
	v23 =	vmovc v17;
	v17 =	vand.u32 $0x7F, v30;
	v29 =	vand.u32 $0x7F, v29;
	v22 =	vld [tilespmem:s3+$0x20]  }
0x99: {  	vm0 =	vmand vm9, vm0;
	v28 =	vand.u32 $0x7F, v28;
	v27 =	vand.u32 $0x7F, v27;
	v10 =	vmovc v16;
	v16 =	vld [tilespmem:s3+$0xFFFFFFE0]  }
0x9a: {  	v42 =	vor.u32 v17, v39;
	v39 =	vand.u32 $0x3FF, v20;
	v8 =	vmovc v14;
	v14 =	vld [tilespmem:s3+$0xFFFFFFF0];
	vm4 =	vnez.u8 v18  }
0x9b: {  	vm9 =	vmand vm14, vm15;
	vm10 =	vmand vm10, vm11;
	v46 =	vor.u32 s26, v6;
	[tilespmem:v21+s22+$0x0] =	vst.idx.msk vm3, v7;
	v21 =	vld [tilespmem:s3+$0xFFFFFFC0]  }
0x9c: {  	v47 =	vor.u32 s18, v6;
	v48 =	vor.u32 s19, v6;
	v30 =	vor.u32 v37, v38  }
0x9d: {  	s31 =	sadd.s32 $0x20, s31;
	v26 =	vor.u32 v32, v26;
	v7 =	vmovc v12;
	vm3 =	vmand vm7, vm8;
	v12 =	vimm.s32 $0x0;
	v18 =	vld [tilespmem:s3+$0x0]  }
0x9e: {  	v63 =	vor.u32 s31, v6;
	v41 =	vand.u32 $0x3FF, v40;
	v40 =	vshra.s32 v40, $0xA  }
0x9f: {  	v17 =	vand.u32 $0x3FF, v16;
	v52 =	vshra.s32 v16, $0xA;
	v56 =	vld.idx.msk [tilespmem:v39+s16+$0x0], $0xffff;
	v16 =	vand.u32 $0x3FF, v14  }
0xa0: {  	v43 =	vshra.s32 v22, $0xA;
	v44 =	vshra.s32 v21, $0xA;
	v25 =	vand.u32 $0x7F, v31;
	[tilespmem:v19+s21+$0x0] =	vst.idx.msk vm4, v24  }
0xa1: {  	v31 =	vshra.s32 v20, $0xA;
	v20 =	vor.u32 v25, v36;
	v53 =	vshra.s32 v14, $0xA;
	[tilespmem:v19+s22+$0x0] =	vst.idx.msk vm4, v9  }
0xa2: {  	v14 =	vand.u32 $0x3FF, v18;
	v54 =	vshra.s32 v18, $0xA;
	v9 =	vmovc v11;
	v11 =	vimm.s32 $0x0;
	v19 =	vld [tilespmem:s3+$0x10]  }
0xa3: {  	[tilespmem:v26+s21+$0x0] =	vst.idx.msk vm9, v46;
	v18 =	vor.u32 v29, v35;
	v29 =	vld.idx.msk [tilespmem:v41+s16+$0x0], $0xffff;
	vm4 =	vmand vm12, vm13;
	v11 =	vsel vm10, $0xFFFFFFFF, v11  }
0xa4: {  	v25 =	vor.u32 s1, v6;
	v32 =	vadd.s32 v31, v56;
	v45 =	vld.idx.msk [tilespmem:v16+s16+$0x0], $0xffff;
	[tilespmem:$0x1FFC0] =	vst v11;
	v11 =	vimm.s32 $0x0  }
0xa5: {  	[tilespmem:v26+s22+$0x0] =	vst.idx.msk vm9, v13;
	v50 =	vsub.s32 v32, v2;
	v11 =	vsel vm3, $0xFFFFFFFF, v11;
	vm3 =	vmand vm5, vm6  }
0xa6: {  	vm14 =	vge.s32 v32, v2;
	vm15 =	vlt.s32 v32, v3;
	[tilespmem:$0x1FFA0] =	vst v11;
	v12 =	vsel vm3, $0xFFFFFFFF, v12  }
0xa7: {  	v26 =	vand.u32 $0xFFFFFF80, v50;
	[tilespmem:$0x1FFB0] =	vst v12;
	v12 =	vand.u32 $0x3FF, v22;
	v11 =	vand.u32 $0x3FF, v19  }
0xa8: {  	v57 =	vld.idx.msk [tilespmem:v17+s16+$0x0], $0xffff;
	v55 =	vshra.s32 v19, $0xA;
	v19 =	vor.u32 v28, v34;
	v28 =	vand.u32 $0x3FF, v21  }
0xa9: {  	v24 =	vor.u32 s5, v6;
	v29 =	vadd.s32 v40, v29;
	v31 =	vadd.s32 v53, v45;
	[tilespmem:v42+s21+$0x0] =	vst.idx.msk vm4, v47  }
0xaa: {  	vm3 =	vmand vm1, vm2;
	vm1 =	vlt.s32 v29, v3;
	v22 =	vor.u32 s6, v6;
	[tilespmem:v42+s22+$0x0] =	vst.idx.msk vm4, v23;
	v23 =	vld [tilespmem:$0x1FFC0]  }
0xab: {  	v45 =	vsub.s32 v31, v2;
	v21 =	vor.u32 v27, v33;
	v27 =	vld.idx.msk [tilespmem:v14+s16+$0x0], $0xffff;
	[tilespmem:v30+s21+$0x0] =	vst.idx.msk vm0, v22  }
0xac: {  	vm10 =	vge.s32 v31, v2;
	vm11 =	vlt.s32 v31, v3;
	[tilespmem:v30+s22+$0x0] =	vst.idx.msk vm0, v15;
	v49 =	vld.idx.msk [tilespmem:v12+s16+$0x0], $0xffff  }
0xad: {  	v36 =	vand.u32 $0xFFFFFF80, v45;
	v15 =	vmovc v28;
	vm0 =	vge.s32 v29, v2;
	v59 =	vld.idx.msk [tilespmem:v28+s16+$0x0], $0xffff;
	v28 =	vsub.s32 v29, v2  }
0xae: {  	vm1 =	vmand vm0, vm1;
	v58 =	vld.idx.msk [tilespmem:v11+s16+$0x0], $0xffff;
	v29 =	vand.u32 $0x7F, v29;
	v28 =	vand.u32 $0xFFFFFF80, v28  }
0xaf: {  	v30 =	vadd.s32 v52, v57;
	vm4 =	vnez.u8 v23;
	v60 =	vor.u32 v29, v28  }
0xb0: {  	s0 =	sadd.s32 $0x8, s0;
	v22 =	vor.u32 s2, v6;
	v61 =	vsub.s32 v30, v2;
	v29 =	vadd.s32 v54, v27  }
0xb1: {  	p1 =	slt.u32 s0, $0x78;
	vm12 =	vge.s32 v30, v2;
	vm13 =	vlt.s32 v30, v3;
	v62 =	vsub.s32 v29, v2  }
.Ltmp3:
0xb2: {  	vm7 =	vge.s32 v29, v2;
	vm8 =	vlt.s32 v29, v3;
	v27 =	vadd.s32 v43, v49;
	(pc) =	sbr.rel @p1 .LBB2_6-.Ltmp3, $4  }
0xb3: {  	v13 =	vmovc v39;
	v28 =	vadd.s32 v55, v58;
	v37 =	vadd.s32 v44, v59;
	v33 =	vsub.s32 v27, v2  }
0xb4: {  	s26 =	sadd.s32 $0xFFFFFFE8, s31;
	s18 =	sadd.s32 $0xFFFFFFEC, s31;
	v39 =	vand.u32 $0xFFFFFF80, v61;
	v34 =	vsub.s32 v28, v2;
	vm9 =	vge.s32 v37, v2;
	[tilespmem:v60+s21+$0x0] =	vst.idx.msk vm1, v63  }
0xb5: {  	s19 =	sadd.s32 $0xFFFFFFF0, s31;
	s1 =	sadd.s32 $0xFFFFFFF4, s31;
	s5 =	sadd.s32 $0xFFFFFFF8, s31;
	v35 =	vand.u32 $0xFFFFFF80, v62;
	v40 =	vsub.s32 v37, v2;
	vm0 =	vlt.s32 v37, v3;
	[tilespmem:v20+s21+$0x0] =	vst.idx.msk vm4, v48  }
0xb6: {  	s3 =	sadd.s32 $0x80, s3;
	s6 =	sadd.s32 $0xFFFFFFE4, s31;
	s2 =	sadd.s32 $0xFFFFFFFC, s31;
	vm5 =	vge.s32 v28, v2;
	vm6 =	vlt.s32 v28, v3;
	v38 =	vand.u32 $0xFFFFFF80, v40;
	[tilespmem:v60+s22+$0x0] =	vst.idx.msk vm1, v41  }
0xb7: {  	_ =	sdelay $0x4  }
0xb8: {  	[tilespmem:v20+s22+$0x0] =	vst.idx.msk vm4, v10  }
0xb9: {  	v20 =	vld [tilespmem:$0x1FFA0];
	_ =	sdelay $0x4  }
0xba: {  	vm1 =	vnez.u8 v20;
	_ =	sdelay $0x5  }
0xbb: {  	[tilespmem:v18+s21+$0x0] =	vst.idx.msk vm1, v25  }
0xbc: {  	[tilespmem:v18+s22+$0x0] =	vst.idx.msk vm1, v8  }
0xbd: {  	v18 =	vld [tilespmem:$0x1FFB0];
	_ =	sdelay $0x4  }
0xbe: {  	vm2 =	vnez.u8 v18;
	_ =	sdelay $0x3  }
0xbf: {  	vm0 =	vmand vm9, vm0;
	v10 =	vand.u32 $0x7F, v37  }
0xc0: {  	v8 =	vor.u32 v10, v38  }
0xc1: {  	vm1 =	vmand vm14, vm15;
	v10 =	vand.u32 $0x7F, v32;
	[tilespmem:v19+s21+$0x0] =	vst.idx.msk vm2, v24  }
0xc2: {  	[tilespmem:v19+s22+$0x0] =	vst.idx.msk vm2, v9;
	v9 =	vor.u32 v10, v26  }
0xc3: {  	[tilespmem:v21+s21+$0x0] =	vst.idx.msk vm3, v22;
	vm2 =	vmand vm12, vm13;
	v10 =	vand.u32 $0x7F, v30  }
0xc4: {  	[tilespmem:v21+s22+$0x0] =	vst.idx.msk vm3, v7;
	v7 =	vor.u32 v10, v39;
	v10 =	vor.u32 s6, v6  }
0xc5: {  	vm3 =	vmand vm10, vm11;
	v18 =	vand.u32 $0x7F, v31;
	[tilespmem:v8+s21+$0x0] =	vst.idx.msk vm0, v10  }
0xc6: {  	v10 =	vor.u32 v18, v36;
	v18 =	vor.u32 s26, v6;
	[tilespmem:v8+s22+$0x0] =	vst.idx.msk vm0, v15  }
0xc7: {  	v8 =	vand.u32 $0x7F, v29;
	vm0 =	vmand vm7, vm8;
	[tilespmem:v9+s21+$0x0] =	vst.idx.msk vm1, v18  }
0xc8: {  	vm4 =	vmand vm5, vm6;
	v8 =	vor.u32 v8, v35;
	v18 =	vor.u32 s18, v6;
	[tilespmem:v9+s22+$0x0] =	vst.idx.msk vm1, v13  }
0xc9: {  	vm5 =	vlt.s32 v27, v3;
	v15 =	vand.u32 $0xFFFFFF80, v34;
	v9 =	vand.u32 $0x7F, v28;
	[tilespmem:v7+s21+$0x0] =	vst.idx.msk vm2, v18  }
0xca: {  	vm1 =	vge.s32 v27, v2;
	v13 =	vor.u32 s19, v6;
	v9 =	vor.u32 v9, v15;
	[tilespmem:v7+s22+$0x0] =	vst.idx.msk vm2, v17  }
0xcb: {  	v7 =	vand.u32 $0xFFFFFF80, v33;
	v15 =	vand.u32 $0x7F, v27;
	vm1 =	vmand vm1, vm5;
	[tilespmem:v10+s21+$0x0] =	vst.idx.msk vm3, v13  }
0xcc: {  	v13 =	vor.u32 s1, v6;
	v7 =	vor.u32 v15, v7;
	[tilespmem:v10+s22+$0x0] =	vst.idx.msk vm3, v16  }
0xcd: {  	[tilespmem:v8+s21+$0x0] =	vst.idx.msk vm0, v13  }
0xce: {  	v10 =	vor.u32 s5, v6;
	[tilespmem:v8+s22+$0x0] =	vst.idx.msk vm0, v14  }
0xcf: {  	[tilespmem:v9+s21+$0x0] =	vst.idx.msk vm4, v10  }
0xd0: {  	v8 =	vor.u32 s2, v6;
	[tilespmem:v9+s22+$0x0] =	vst.idx.msk vm4, v11  }
0xd1: {  	[tilespmem:v7+s21+$0x0] =	vst.idx.msk vm1, v8  }
0xd2: {  	[tilespmem:v7+s22+$0x0] =	vst.idx.msk vm1, v12  }
0xd3: {  	[hbm4b:s11+s4] =	stream.linear.scatter [tilespmem:s21], [sflag:$0x2], $0x80, $0x38;
	[tilespmem:$0x3380] =	vst v63  }
0xd4: {  	s0 =	simm.s32 $0x2BC0  }
0xd5: {  	[hbm4b:s12+s4] =	stream.linear.scatter [tilespmem:s22], [sflag:$0x2], $0x80, $0x38;
	[tilespmem:$0x3380] =	vst v63  }
0xd6: {  	v8 =	vld [tilespmem:s0+$0xFFFFFFD0]  }
0xd7: {  	v10 =	vld [tilespmem:s0+$0xFFFFFFC0]  }
0xd8: {  	v12 =	vld [tilespmem:s0+$0x20]  }
0xd9: {  	v13 =	vld [tilespmem:s0+$0x30]  }
0xda: {  	v11 =	vld [tilespmem:s0+$0xFFFFFFE0]  }
0xdb: {  	v7 =	vand.u32 $0x3FF, v8  }
0xdc: {  	v14 =	vld [tilespmem:s0+$0xFFFFFFF0];
	v30 =	vand.u32 $0x3FF, v10  }
0xdd: {  	v15 =	vld [tilespmem:s0+$0x10];
	v16 =	vand.u32 $0x3FF, v12  }
0xde: {  	s26 =	simm.s32 $0x2C40;
	v18 =	vld [tilespmem:s0+$0x0];
	v20 =	vand.u32 $0x3FF, v13  }
0xdf: {  	v55 =	vld [tilespmem:s26+$0x20];
	v23 =	vand.u32 $0x3FF, v11  }
0xe0: {  	s19 =	simm.s32 $0x18;
	v17 =	vld.idx.msk [tilespmem:v7+s17+$0x0], $0xffff  }
0xe1: {  	v26 =	vor.u32 s19, v6;
	s19 =	simm.s32 $0x0;
	v19 =	vld.idx.msk [tilespmem:v30+s17+$0x0], $0xffff  }
0xe2: {  	s5 =	simm.s32 $0x4;
	v63 =	vor.u32 s19, v6;
	v25 =	vld.idx.msk [tilespmem:v16+s17+$0x0], $0xffff  }
0xe3: {  	v42 =	vor.u32 s5, v6;
	v22 =	vand.u32 $0x3FF, v14;
	v24 =	vand.u32 $0x3FF, v15;
	v27 =	vld.idx.msk [tilespmem:v20+s17+$0x0], $0xffff  }
0xe4: {  	v9 =	vand.u32 $0x3FF, v18;
	v8 =	vshra.s32 v8, $0xA;
	v10 =	vshra.s32 v10, $0xA;
	v21 =	vld.idx.msk [tilespmem:v23+s17+$0x0], $0xffff  }
0xe5: {  	v13 =	vshra.s32 v13, $0xA;
	v12 =	vshra.s32 v12, $0xA;
	v18 =	vshra.s32 v18, $0xA  }
0xe6: {  	v31 =	vld [tilespmem:s26+$0xFFFFFFE0];
	v32 =	vshra.s32 v55, $0xA;
	v28 =	vadd.s32 v8, v17;
	v8 =	vshra.s32 v14, $0xA  }
0xe7: {  	v19 =	vadd.s32 v10, v19;
	v10 =	vshra.s32 v11, $0xA;
	v12 =	vadd.s32 v12, v25  }
0xe8: {  	v11 =	vld.idx.msk [tilespmem:v22+s17+$0x0], $0xffff;
	v14 =	vshra.s32 v15, $0xA;
	v13 =	vadd.s32 v13, v27;
	vm0 =	vge.s32 v19, v4  }
0xe9: {  	v25 =	vld [tilespmem:s26+$0xFFFFFFD0];
	v17 =	vadd.s32 v10, v21;
	vm2 =	vge.s32 v12, v4;
	vm3 =	vlt.s32 v12, v5  }
0xea: {  	v10 =	vld.idx.msk [tilespmem:v24+s17+$0x0], $0xffff;
	vm1 =	vlt.s32 v19, v5;
	v15 =	vsub.s32 v12, v4;
	vm5 =	vmand vm2, vm3  }
0xeb: {  	v27 =	vld [tilespmem:s26+$0xFFFFFFC0];
	v29 =	vsub.s32 v13, v4;
	v12 =	vand.u32 $0x3FF, v31;
	vm0 =	vmand vm0, vm1  }
0xec: {  	v40 =	vsub.s32 v19, v4;
	vm1 =	vge.s32 v17, v4;
	vm2 =	vlt.s32 v17, v5  }
0xed: {  	v58 =	vld.idx.msk [tilespmem:v9+s17+$0x0], $0xffff;
	vm3 =	vge.s32 v13, v4;
	vm1 =	vmand vm1, vm2;
	vm2 =	vlt.s32 v13, v5  }
0xee: {  	v57 =	vld [tilespmem:s26+$0x10];
	vm6 =	vmand vm3, vm2;
	v13 =	vadd.s32 v8, v11;
	v8 =	vand.u32 $0x3FF, v25  }
0xef: {  	v56 =	vld [tilespmem:s26+$0x30];
	v21 =	vadd.s32 v14, v10;
	vm2 =	vlt.s32 v13, v5;
	vm3 =	vge.s32 v13, v4  }
0xf0: {  	v10 =	vand.u32 $0x3FF, v27;
	v60 =	vsub.s32 v13, v4;
	vm3 =	vmand vm3, vm2;
	[tilespmem:v15+s23+$0x0] =	vst.idx.msk vm5, v26  }
0xf1: {  	v11 =	vld [tilespmem:s26+$0x0];
	v14 =	vand.u32 $0x3FF, v55;
	vm7 =	vge.s32 v21, v4;
	vm8 =	vlt.s32 v21, v5;
	[tilespmem:v40+s23+$0x0] =	vst.idx.msk vm0, v63  }
0xf2: {  	s1 =	simm.s32 $0x1C;
	v59 =	vld [tilespmem:s26+$0xFFFFFFF0];
	v35 =	vadd.s32 v18, v58;
	v62 =	vsub.s32 v17, v4;
	vm2 =	vmand vm7, vm8;
	[tilespmem:v15+s24+$0x0] =	vst.idx.msk vm5, v16  }
0xf3: {  	s18 =	simm.s32 $0x14;
	v17 =	vand.u32 $0x3FF, v57;
	v43 =	vld.idx.msk [tilespmem:v12+s17+$0x0], $0xffff;
	v61 =	vsub.s32 v21, v4;
	v15 =	vor.u32 s1, v6;
	[tilespmem:v40+s24+$0x0] =	vst.idx.msk vm0, v30  }
0xf4: {  	s3 =	simm.s32 $0x38;
	s6 =	simm.s32 $0xC;
	v18 =	vor.u32 s18, v6;
	vm4 =	vge.s32 v28, v4;
	v13 =	vand.u32 $0x3FF, v56;
	v26 =	vld.idx.msk [tilespmem:v8+s17+$0x0], $0xffff;
	[tilespmem:v29+s23+$0x0] =	vst.idx.msk vm6, v15  }
0xf5: {  	s2 =	simm.s32 $0x10;
	v19 =	vor.u32 s3, v6;
	vm7 =	vlt.s32 v28, v5;
	v41 =	vld.idx.msk [tilespmem:v10+s17+$0x0], $0xffff;
	[tilespmem:v29+s24+$0x0] =	vst.idx.msk vm6, v20;
	v20 =	vor.u32 s6, v6  }
0xf6: {  	v21 =	vor.u32 s2, v6;
	vm5 =	vmand vm4, vm7;
	v16 =	vand.u32 $0x3FF, v11;
	v44 =	vld.idx.msk [tilespmem:v14+s17+$0x0], $0xffff;
	[tilespmem:v60+s23+$0x0] =	vst.idx.msk vm3, v20  }
0xf7: {  	s26 =	simm.s32 $0x8;
	vm4 =	vge.s32 v35, v4;
	v15 =	vand.u32 $0x3FF, v59;
	v29 =	vsub.s32 v28, v4;
	[tilespmem:v60+s24+$0x0] =	vst.idx.msk vm3, v22  }
0xf8: {  	v30 =	vld.idx.msk [tilespmem:v17+s17+$0x0], $0xffff;
	vm3 =	vlt.s32 v35, v5;
	[tilespmem:v61+s23+$0x0] =	vst.idx.msk vm2, v18;
	v18 =	vshra.s32 v25, $0xA;
	v22 =	vor.u32 s26, v6  }
0xf9: {  	v25 =	vld.idx.msk [tilespmem:v13+s17+$0x0], $0xffff;
	vm3 =	vmand vm4, vm3;
	v18 =	vadd.s32 v18, v26;
	[tilespmem:v61+s24+$0x0] =	vst.idx.msk vm2, v24;
	v24 =	vshra.s32 v27, $0xA  }
0xfa: {  	v27 =	vshra.s32 v59, $0xA;
	[tilespmem:v62+s23+$0x0] =	vst.idx.msk vm1, v22;
	v26 =	vsub.s32 v35, v4;
	v22 =	vadd.s32 v24, v41  }
0xfb: {  	v20 =	vld.idx.msk [tilespmem:v16+s17+$0x0], $0xffff;
	v24 =	vshra.s32 v31, $0xA;
	v31 =	vshra.s32 v56, $0xA;
	v32 =	vadd.s32 v32, v44;
	[tilespmem:v62+s24+$0x0] =	vst.idx.msk vm1, v23  }
0xfc: {  	s31 =	simm.s32 $0x3C;
	vm0 =	vge.s32 v18, v4;
	vm1 =	vlt.s32 v18, v5;
	v23 =	vshra.s32 v57, $0xA;
	[tilespmem:v29+s23+$0x0] =	vst.idx.msk vm5, v42  }
0xfd: {  	s0 =	simm.s32 $0x8;
	s2 =	simm.s32 $0x3C;
	s1 =	simm.s32 $0x2CC0;
	v28 =	vld.idx.msk [tilespmem:v15+s17+$0x0], $0xffff;
	vm6 =	vge.s32 v22, v4;
	v24 =	vadd.s32 v24, v43;
	vm2 =	vlt.s32 v22, v5  }
.LBB2_8:
0xfe: {  	v33 =	vld [tilespmem:s1+$0xFFFFFFD0];
	s0 =	sadd.s32 $0x8, s0;
	vm2 =	vmand vm6, vm2;
	vm4 =	vge.s32 v32, v4;
	vm6 =	vlt.s32 v32, v5;
	[tilespmem:v29+s24+$0x0] =	vst.idx.msk vm5, v7  }
0xff: {  	v29 =	vsub.s32 v32, v4;
	v25 =	vadd.s32 v31, v25;
	v34 =	vld [tilespmem:s1+$0x30];
	p1 =	slt.u32 s0, $0x18;
	vm5 =	vmand vm4, vm6;
	[tilespmem:v26+s23+$0x0] =	vst.idx.msk vm3, v21  }
0x100: {  	v7 =	vmovc v8;
	vm4 =	vge.s32 v24, v4;
	vm6 =	vlt.s32 v24, v5;
	vm7 =	vge.s32 v25, v4;
	v31 =	vld [tilespmem:s1+$0xFFFFFFC0]  }
0x101: {  	vm4 =	vmand vm4, vm6;
	vm6 =	vlt.s32 v25, v5;
	v25 =	vsub.s32 v25, v4;
	v32 =	vld [tilespmem:s1+$0xFFFFFFE0];
	[tilespmem:v26+s24+$0x0] =	vst.idx.msk vm3, v9  }
0x102: {  	v23 =	vadd.s32 v23, v30;
	v30 =	vmovc v10;
	v36 =	vmovc v12;
	v21 =	vadd.s32 v27, v28;
	vm7 =	vmand vm7, vm6;
	v35 =	vld [tilespmem:s1+$0x20]  }
0x103: {  	vm3 =	vlt.s32 v21, v5;
	vm6 =	vge.s32 v23, v4;
	v26 =	vmovc v17;
	v9 =	vmovc v16;
	v8 =	vand.u32 $0x3FF, v33;
	v37 =	vld [tilespmem:s1+$0x10]  }
0x104: {  	vm9 =	vlt.s32 v23, v5;
	vm8 =	vge.s32 v21, v4;
	v23 =	vsub.s32 v23, v4;
	v27 =	vld [tilespmem:s1+$0x0]  }
0x105: {  	vm3 =	vmand vm8, vm3;
	v38 =	vand.u32 $0x3FF, v34;
	v10 =	vand.u32 $0x3FF, v31;
	v28 =	vld [tilespmem:s1+$0xFFFFFFF0];
	[tilespmem:v29+s23+$0x0] =	vst.idx.msk vm5, v19  }
0x106: {  	v39 =	vsub.s32 v21, v4;
	vm6 =	vmand vm6, vm9;
	v12 =	vand.u32 $0x3FF, v32;
	[tilespmem:v29+s24+$0x0] =	vst.idx.msk vm5, v14  }
0x107: {  	v40 =	vsub.s32 v24, v4;
	s3 =	sadd.s32 $0xFFFFFFF4, s31;
	s2 =	sadd.s32 $0x20, s2;
	v16 =	vor.u32 s31, v6;
	v14 =	vand.u32 $0x3FF, v35  }
0x108: {  	v41 =	vsub.s32 v22, v4;
	s6 =	sadd.s32 $0xFFFFFFE8, s31;
	s5 =	sadd.s32 $0xFFFFFFFC, s2;
	v21 =	vor.u32 s3, v6;
	v24 =	vld.idx.msk [tilespmem:v8+s17+$0x0], $0xffff;
	v17 =	vand.u32 $0x3FF, v37;
	[tilespmem:v25+s23+$0x0] =	vst.idx.msk vm7, v16  }
0x109: {  	v42 =	vor.u32 s6, v6;
	s3 =	sadd.s32 $0xFFFFFFF0, s31;
	v19 =	vor.u32 s5, v6;
	v16 =	vand.u32 $0x3FF, v27;
	[tilespmem:v25+s24+$0x0] =	vst.idx.msk vm7, v13;
	v13 =	vmovc v38  }
0x10a: {  	s5 =	sadd.s32 $0xFFFFFFE4, s31;
	v29 =	vshra.s32 v11, $0xA;
	v25 =	vor.u32 s3, v6;
	s3 =	sadd.s32 $0xFFFFFFF8, s31;
	v11 =	vmovc v27;
	v22 =	vld.idx.msk [tilespmem:v10+s17+$0x0], $0xffff;
	v43 =	vand.u32 $0x3FF, v28  }
0x10b: {  	v45 =	vor.u32 s5, v6;
	v46 =	vadd.s32 v29, v20;
	v20 =	vor.u32 s3, v6;
	v44 =	vld.idx.msk [tilespmem:v12+s17+$0x0], $0xffff;
	[tilespmem:v39+s23+$0x0] =	vst.idx.msk vm3, v25  }
0x10c: {  	vm8 =	vlt.s32 v46, v5;
	vm7 =	vge.s32 v46, v4;
	v47 =	vld.idx.msk [tilespmem:v14+s17+$0x0], $0xffff;
	[tilespmem:v23+s23+$0x0] =	vst.idx.msk vm6, v20  }
0x10d: {  	vm5 =	vmand vm0, vm1;
	s3 =	sadd.s32 $0xFFFFFFEC, s31;
	s31 =	smov.u32 s2;
	v20 =	vshra.s32 v33, $0xA;
	v25 =	vld.idx.msk [tilespmem:v38+s17+$0x0], $0xffff;
	[tilespmem:v39+s24+$0x0] =	vst.idx.msk vm3, v15;
	vm3 =	vmand vm7, vm8;
	v15 =	vmovc v43  }
0x10e: {  	v29 =	vsub.s32 v18, v4;
	v18 =	vadd.s32 v20, v24;
	v24 =	vor.u32 s3, v6;
	[tilespmem:v23+s24+$0x0] =	vst.idx.msk vm6, v26  }
.Ltmp4:
0x10f: {  	v27 =	vshra.s32 v28, $0xA;
	v23 =	vshra.s32 v31, $0xA;
	v26 =	vsub.s32 v46, v4;
	v20 =	vld.idx.msk [tilespmem:v16+s17+$0x0], $0xffff;
	[tilespmem:v40+s23+$0x0] =	vst.idx.msk vm4, v24;
	(pc) =	sbr.rel @p1 .LBB2_8-.Ltmp4, $4  }
0x110: {  	v31 =	vshra.s32 v34, $0xA;
	v22 =	vadd.s32 v23, v22;
	v23 =	vshra.s32 v32, $0xA;
	v28 =	vld.idx.msk [tilespmem:v43+s17+$0x0], $0xffff;
	[tilespmem:v41+s23+$0x0] =	vst.idx.msk vm2, v45  }
0x111: {  	vm6 =	vge.s32 v22, v4;
	v24 =	vadd.s32 v23, v44;
	v23 =	vshra.s32 v35, $0xA;
	[tilespmem:v41+s24+$0x0] =	vst.idx.msk vm2, v30  }
0x112: {  	vm2 =	vlt.s32 v22, v5;
	v32 =	vadd.s32 v23, v47;
	v30 =	vld.idx.msk [tilespmem:v17+s17+$0x0], $0xffff;
	[tilespmem:v40+s24+$0x0] =	vst.idx.msk vm4, v36  }
0x113: {  	s1 =	sadd.s32 $0x80, s1;
	vm0 =	vge.s32 v18, v4;
	vm1 =	vlt.s32 v18, v5;
	v23 =	vshra.s32 v37, $0xA;
	[tilespmem:v29+s23+$0x0] =	vst.idx.msk vm5, v42  }
.Ltmp5:
0x114: {  	_ = 	snop;
	(pc) =	sbr.rel .LBB2_9-.Ltmp5, $1  }
0x115: {  	_ =	sdelay $0x3  }
.LBB2_2:
0x116: {  	s0 =	rddreg [dreg:$0x1]  }
0x117: {  	[tilespmem:s4], [sflag:$0x1] =	stream.linear.gather [hbm4b:s0+s4], $0x200, $0x38;
	[tilespmem:$0x3380] =	vst v63  }
0x118: {  	s26 =	rddreg [dreg:$0x0];
	s1 =	simm.s32 $0x380  }
0x119: {  	[tilespmem:s1], [sflag:$0x1] =	stream.linear.gather [hbm4b:s26+s4], $0x2000, $0x38;
	[tilespmem:$0x3380] =	vst v63  }
0x11a: {  	_ =	swait.ge [sflag:s20], $0x200  }
0x11b: {  	[sflag:s20] =	ssyncset.done $0x0  }
0x11c: {  	[sflag:s20] =	ssyncadd.s32 $0xFFFFFE00  }
0x11d: {  	_ =	swait.ge [sflag:s20], $0x2000  }
0x11e: {  	[sflag:s20] =	ssyncset.done $0x0  }
0x11f: {  	s1 =	simm.s32 $0x3C0;
	[sflag:s20] =	ssyncadd.s32 $0xFFFFE000  }
0x120: {  	v11 =	vld [tilespmem:s1+$0x30]  }
0x121: {  	v12 =	vld [tilespmem:s1+$0xFFFFFFD0]  }
0x122: {  	v13 =	vld [tilespmem:s1+$0xFFFFFFE0]  }
0x123: {  	v14 =	vld [tilespmem:s1+$0xFFFFFFF0]  }
0x124: {  	v15 =	vld [tilespmem:s1+$0x0]  }
0x125: {  	v16 =	vld [tilespmem:s1+$0x10];
	v21 =	vand.u32 $0x3FF, v11  }
0x126: {  	v18 =	vld [tilespmem:s1+$0xFFFFFFC0];
	v26 =	vand.u32 $0x3FF, v12  }
0x127: {  	v23 =	vand.u32 $0x3FF, v13  }
0x128: {  	s3 =	simm.s32 $0x440;
	v17 =	vld [tilespmem:s1+$0x20];
	v10 =	vand.u32 $0x3FF, v14  }
0x129: {  	v31 =	vld [tilespmem:s3+$0x30];
	v8 =	vand.u32 $0x3FF, v15  }
0x12a: {  	v9 =	vand.u32 $0x3FF, v16;
	v19 =	vld.idx.msk [tilespmem:v21+s4+$0x0], $0xffff  }
0x12b: {  	v27 =	vand.u32 $0x3FF, v18;
	v20 =	vld.idx.msk [tilespmem:v26+s4+$0x0], $0xffff  }
0x12c: {  	v22 =	vld.idx.msk [tilespmem:v23+s4+$0x0], $0xffff  }
0x12d: {  	v24 =	vld.idx.msk [tilespmem:v10+s4+$0x0], $0xffff  }
0x12e: {  	s6 =	simm.s32 $0x4;
	v25 =	vld.idx.msk [tilespmem:v8+s4+$0x0], $0xffff  }
0x12f: {  	v53 =	vor.u32 s6, v6;
	v28 =	vld.idx.msk [tilespmem:v9+s4+$0x0], $0xffff  }
0x130: {  	v7 =	vand.u32 $0x3FF, v17;
	v12 =	vshra.s32 v12, $0xA;
	v13 =	vshra.s32 v13, $0xA;
	v29 =	vld.idx.msk [tilespmem:v27+s4+$0x0], $0xffff  }
0x131: {  	v14 =	vshra.s32 v14, $0xA;
	v11 =	vshra.s32 v11, $0xA;
	v15 =	vshra.s32 v15, $0xA  }
0x132: {  	v16 =	vshra.s32 v16, $0xA;
	v17 =	vshra.s32 v17, $0xA;
	v18 =	vshra.s32 v18, $0xA  }
0x133: {  	v39 =	vand.u32 $0x3FF, v31;
	v31 =	vshra.s32 v31, $0xA;
	v11 =	vadd.s32 v11, v19  }
0x134: {  	v12 =	vadd.s32 v12, v20;
	v13 =	vadd.s32 v13, v22;
	v14 =	vadd.s32 v14, v24  }
0x135: {  	s2 =	simm.s32 $0x1C;
	v15 =	vadd.s32 v15, v25;
	v16 =	vadd.s32 v16, v28;
	v18 =	vadd.s32 v18, v29  }
0x136: {  	v29 =	vor.u32 s2, v6;
	vm0 =	vge.s32 v11, v0;
	vm1 =	vlt.s32 v11, v1  }
0x137: {  	v30 =	vsub.s32 v11, v0;
	v11 =	vand.u32 $0x7F, v11;
	v20 =	vsub.s32 v13, v0  }
0x138: {  	v24 =	vsub.s32 v14, v0;
	v28 =	vsub.s32 v16, v0;
	vm13 =	vge.s32 v12, v0  }
0x139: {  	vm14 =	vlt.s32 v12, v1;
	vm4 =	vge.s32 v13, v0;
	vm12 =	vlt.s32 v13, v1  }
0x13a: {  	vm10 =	vge.s32 v14, v0;
	vm11 =	vlt.s32 v14, v1;
	vm8 =	vge.s32 v15, v0  }
0x13b: {  	v19 =	vld.idx.msk [tilespmem:v7+s4+$0x0], $0xffff;
	vm9 =	vlt.s32 v15, v1;
	vm6 =	vge.s32 v16, v0;
	vm7 =	vlt.s32 v16, v1  }
0x13c: {  	v13 =	vand.u32 $0x7F, v13;
	v14 =	vand.u32 $0x7F, v14;
	vm5 =	vmand vm0, vm1  }
0x13d: {  	v32 =	vld [tilespmem:s3+$0xFFFFFFD0];
	v30 =	vand.u32 $0xFFFFFF80, v30;
	vm0 =	vge.s32 v18, v0;
	vm1 =	vlt.s32 v18, v1  }
0x13e: {  	v34 =	vld [tilespmem:s3+$0xFFFFFFF0];
	vm10 =	vmand vm10, vm11;
	v22 =	vor.u32 v11, v30;
	v11 =	vsub.s32 v12, v0  }
0x13f: {  	v37 =	vld [tilespmem:s3+$0x0];
	vm8 =	vmand vm8, vm9;
	v12 =	vand.u32 $0x7F, v12;
	v11 =	vand.u32 $0xFFFFFF80, v11  }
0x140: {  	v41 =	vld [tilespmem:s3+$0x20];
	v17 =	vadd.s32 v17, v19;
	v38 =	vor.u32 v12, v11;
	v11 =	vimm.s32 $0x0  }
0x141: {  	v30 =	vsub.s32 v18, v0;
	v12 =	vld [tilespmem:s3+$0x10];
	v19 =	vsub.s32 v17, v0;
	v11 =	vsel vm10, $0xFFFFFFFF, v11  }
0x142: {  	v18 =	vand.u32 $0x7F, v18;
	v33 =	vand.u32 $0xFFFFFF80, v19;
	v19 =	vld [tilespmem:s3+$0xFFFFFFE0];
	[tilespmem:$0x1FFF0] =	vst v11;
	v11 =	vimm.s32 $0x0  }
0x143: {  	vm1 =	vmand vm0, vm1;
	v30 =	vand.u32 $0xFFFFFF80, v30;
	v11 =	vsel vm8, $0xFFFFFFFF, v11  }
0x144: {  	v35 =	vand.u32 $0x7F, v16;
	v16 =	vand.u32 $0x3FF, v34;
	v30 =	vor.u32 v18, v30;
	v42 =	vld [tilespmem:s3+$0xFFFFFFC0];
	[tilespmem:$0x1FFD0] =	vst v11  }
0x145: {  	v20 =	vand.u32 $0xFFFFFF80, v20;
	v24 =	vand.u32 $0xFFFFFF80, v24;
	vm6 =	vmand vm6, vm7;
	v45 =	vld.idx.msk [tilespmem:v39+s4+$0x0], $0xffff  }
0x146: {  	v11 =	vand.u32 $0x3FF, v12;
	v44 =	vshra.s32 v12, $0xA;
	v12 =	vimm.s32 $0x0  }
0x147: {  	s5 =	simm.s32 $0x0;
	vm4 =	vmand vm4, vm12;
	vm0 =	vmand vm13, vm14;
	v12 =	vsel vm6, $0xFFFFFFFF, v12  }
0x148: {  	v40 =	vor.u32 v13, v20;
	v20 =	vor.u32 v14, v24;
	v24 =	vor.u32 s5, v6;
	[tilespmem:$0x1FFE0] =	vst v12  }
0x149: {  	v13 =	vand.u32 $0x3FF, v32;
	vm2 =	vge.s32 v17, v0;
	vm3 =	vlt.s32 v17, v1;
	[tilespmem:v30+s28+$0x0] =	vst.idx.msk vm1, v24  }
0x14a: {  	v14 =	vand.u32 $0x3FF, v37;
	vm3 =	vmand vm2, vm3;
	[tilespmem:v30+s29+$0x0] =	vst.idx.msk vm1, v27;
	v31 =	vadd.s32 v31, v45  }
0x14b: {  	vm1 =	vge.s32 v31, v0;
	vm2 =	vlt.s32 v31, v1;
	v30 =	vsub.s32 v31, v0  }
0x14c: {  	s2 =	simm.s32 $0x8;
	[tilespmem:v22+s28+$0x0] =	vst.idx.msk vm5, v29;
	v31 =	vand.u32 $0x7F, v31;
	vm1 =	vmand vm1, vm2;
	v49 =	vand.u32 $0xFFFFFF80, v30  }
0x14d: {  	s18 =	simm.s32 $0xC;
	s31 =	simm.s32 $0x3C;
	v54 =	vor.u32 s2, v6;
	[tilespmem:v38+s28+$0x0] =	vst.idx.msk vm0, v53;
	v57 =	vor.u32 v31, v49  }
0x14e: {  	v47 =	vor.u32 s18, v6;
	v62 =	vor.u32 s31, v6;
	v25 =	vsub.s32 v15, v0;
	[tilespmem:v40+s28+$0x0] =	vst.idx.msk vm4, v54  }
0x14f: {  	v15 =	vand.u32 $0x7F, v15;
	v34 =	vshra.s32 v34, $0xA;
	v25 =	vand.u32 $0xFFFFFF80, v25;
	v46 =	vld.idx.msk [tilespmem:v13+s4+$0x0], $0xffff;
	[tilespmem:v22+s29+$0x0] =	vst.idx.msk vm5, v21  }
0x150: {  	v28 =	vand.u32 $0xFFFFFF80, v28;
	v36 =	vand.u32 $0x7F, v17;
	v17 =	vand.u32 $0x3FF, v19;
	v29 =	vld.idx.msk [tilespmem:v16+s4+$0x0], $0xffff;
	[tilespmem:v38+s29+$0x0] =	vst.idx.msk vm0, v26  }
0x151: {  	v32 =	vshra.s32 v32, $0xA;
	v37 =	vshra.s32 v37, $0xA;
	s3 =	simm.s32 $0x10;
	v12 =	vand.u32 $0x3FF, v41;
	v55 =	vld.idx.msk [tilespmem:v14+s4+$0x0], $0xffff;
	[tilespmem:v40+s29+$0x0] =	vst.idx.msk vm4, v23  }
0x152: {  	v18 =	vor.u32 v15, v25;
	v25 =	vor.u32 s3, v6;
	v15 =	vand.u32 $0x3FF, v42;
	[tilespmem:v57+s28+$0x0] =	vst.idx.msk vm1, v62  }
0x153: {  	s19 =	simm.s32 $0x14;
	v43 =	vshra.s32 v19, $0xA;
	v41 =	vshra.s32 v41, $0xA;
	v19 =	vor.u32 v35, v28;
	v48 =	vld.idx.msk [tilespmem:v11+s4+$0x0], $0xffff;
	[tilespmem:v57+s29+$0x0] =	vst.idx.msk vm1, v39  }
0x154: {  	s26 =	simm.s32 $0x18;
	v52 =	vshra.s32 v42, $0xA;
	v24 =	vor.u32 s19, v6;
	v21 =	vor.u32 v36, v33;
	v23 =	vld [tilespmem:$0x1FFF0]  }
0x155: {  	v22 =	vor.u32 s26, v6;
	v28 =	vld.idx.msk [tilespmem:v17+s4+$0x0], $0xffff;
	v32 =	vadd.s32 v32, v46;
	v31 =	vadd.s32 v34, v29  }
0x156: {  	v27 =	vld.idx.msk [tilespmem:v12+s4+$0x0], $0xffff;
	v29 =	vadd.s32 v37, v55;
	v58 =	vsub.s32 v32, v0;
	v60 =	vsub.s32 v31, v0  }
0x157: {  	v56 =	vld.idx.msk [tilespmem:v15+s4+$0x0], $0xffff;
	v61 =	vsub.s32 v29, v0;
	vm14 =	vge.s32 v32, v0;
	vm15 =	vlt.s32 v32, v1  }
0x158: {  	vm10 =	vge.s32 v31, v0;
	vm11 =	vlt.s32 v31, v1;
	vm7 =	vge.s32 v29, v0  }
0x159: {  	vm8 =	vlt.s32 v29, v1;
	v26 =	vand.u32 $0xFFFFFF80, v58;
	vm4 =	vnez.u8 v23  }
0x15a: {  	v36 =	vand.u32 $0xFFFFFF80, v60;
	v35 =	vand.u32 $0xFFFFFF80, v61;
	v30 =	vadd.s32 v43, v28  }
0x15b: {  	v28 =	vadd.s32 v44, v48;
	v27 =	vadd.s32 v41, v27;
	v59 =	vsub.s32 v30, v0  }
0x15c: {  	v34 =	vsub.s32 v28, v0;
	v37 =	vadd.s32 v52, v56;
	v33 =	vsub.s32 v27, v0  }
0x15d: {  	s0 =	simm.s32 $0x8;
	s6 =	simm.s32 $0x20;
	s18 =	simm.s32 $0x28;
	vm12 =	vge.s32 v30, v0;
	vm13 =	vlt.s32 v30, v1;
	vm5 =	vge.s32 v28, v0  }
0x15e: {  	s1 =	simm.s32 $0x30;
	s2 =	simm.s32 $0x38;
	s5 =	simm.s32 $0x34;
	vm6 =	vlt.s32 v28, v1;
	vm9 =	vge.s32 v37, v0;
	v63 =	vsub.s32 v37, v0  }
0x15f: {  	s3 =	simm.s32 $0x4C0;
	s19 =	simm.s32 $0x2C;
	s26 =	simm.s32 $0x24;
	vm0 =	vlt.s32 v37, v1;
	v39 =	vand.u32 $0xFFFFFF80, v59;
	v38 =	vand.u32 $0xFFFFFF80, v63;
	[tilespmem:v20+s28+$0x0] =	vst.idx.msk vm4, v47  }
.LBB2_3:
0x160: {  	[tilespmem:v20+s29+$0x0] =	vst.idx.msk vm4, v10;
	v10 =	vld [tilespmem:$0x1FFD0];
	_ =	sdelay $0x4  }
0x161: {  	vm4 =	vnez.u8 v10;
	_ =	sdelay $0x5  }
0x162: {  	v20 =	vld [tilespmem:s3+$0xFFFFFFD0];
	[tilespmem:v18+s28+$0x0] =	vst.idx.msk vm4, v25  }
0x163: {  	[tilespmem:v18+s29+$0x0] =	vst.idx.msk vm4, v8;
	v18 =	vld [tilespmem:$0x1FFE0]  }
0x164: {  	v34 =	vand.u32 $0xFFFFFF80, v34;
	vm1 =	vge.s32 v27, v0  }
0x165: {  	v40 =	vld [tilespmem:s3+$0x30];
	vm2 =	vlt.s32 v27, v1;
	v37 =	vand.u32 $0x7F, v37;
	v32 =	vand.u32 $0x7F, v32;
	[tilespmem:v21+s28+$0x0] =	vst.idx.msk vm3, v22  }
0x166: {  	v33 =	vand.u32 $0xFFFFFF80, v33;
	v23 =	vmovc v17;
	v17 =	vand.u32 $0x7F, v30;
	v29 =	vand.u32 $0x7F, v29;
	v22 =	vld [tilespmem:s3+$0x20]  }
0x167: {  	vm0 =	vmand vm9, vm0;
	v28 =	vand.u32 $0x7F, v28;
	v27 =	vand.u32 $0x7F, v27;
	v10 =	vmovc v16;
	v16 =	vld [tilespmem:s3+$0xFFFFFFE0]  }
0x168: {  	v42 =	vor.u32 v17, v39;
	v39 =	vand.u32 $0x3FF, v20;
	v8 =	vmovc v14;
	v14 =	vld [tilespmem:s3+$0xFFFFFFF0];
	vm4 =	vnez.u8 v18  }
0x169: {  	vm9 =	vmand vm14, vm15;
	vm10 =	vmand vm10, vm11;
	v46 =	vor.u32 s26, v6;
	[tilespmem:v21+s29+$0x0] =	vst.idx.msk vm3, v7;
	v21 =	vld [tilespmem:s3+$0xFFFFFFC0]  }
0x16a: {  	v47 =	vor.u32 s18, v6;
	v48 =	vor.u32 s19, v6;
	v30 =	vor.u32 v37, v38  }
0x16b: {  	s31 =	sadd.s32 $0x20, s31;
	v26 =	vor.u32 v32, v26;
	v7 =	vmovc v12;
	vm3 =	vmand vm7, vm8;
	v12 =	vimm.s32 $0x0;
	v18 =	vld [tilespmem:s3+$0x0]  }
0x16c: {  	v63 =	vor.u32 s31, v6;
	v41 =	vand.u32 $0x3FF, v40;
	v40 =	vshra.s32 v40, $0xA  }
0x16d: {  	v17 =	vand.u32 $0x3FF, v16;
	v52 =	vshra.s32 v16, $0xA;
	v56 =	vld.idx.msk [tilespmem:v39+s4+$0x0], $0xffff;
	v16 =	vand.u32 $0x3FF, v14  }
0x16e: {  	v43 =	vshra.s32 v22, $0xA;
	v44 =	vshra.s32 v21, $0xA;
	v25 =	vand.u32 $0x7F, v31;
	[tilespmem:v19+s28+$0x0] =	vst.idx.msk vm4, v24  }
0x16f: {  	v31 =	vshra.s32 v20, $0xA;
	v20 =	vor.u32 v25, v36;
	v53 =	vshra.s32 v14, $0xA;
	[tilespmem:v19+s29+$0x0] =	vst.idx.msk vm4, v9  }
0x170: {  	v14 =	vand.u32 $0x3FF, v18;
	v54 =	vshra.s32 v18, $0xA;
	v9 =	vmovc v11;
	v11 =	vimm.s32 $0x0;
	v19 =	vld [tilespmem:s3+$0x10]  }
0x171: {  	[tilespmem:v26+s28+$0x0] =	vst.idx.msk vm9, v46;
	v18 =	vor.u32 v29, v35;
	v29 =	vld.idx.msk [tilespmem:v41+s4+$0x0], $0xffff;
	vm4 =	vmand vm12, vm13;
	v11 =	vsel vm10, $0xFFFFFFFF, v11  }
0x172: {  	v25 =	vor.u32 s1, v6;
	v32 =	vadd.s32 v31, v56;
	v45 =	vld.idx.msk [tilespmem:v16+s4+$0x0], $0xffff;
	[tilespmem:$0x1FFF0] =	vst v11;
	v11 =	vimm.s32 $0x0  }
0x173: {  	[tilespmem:v26+s29+$0x0] =	vst.idx.msk vm9, v13;
	v50 =	vsub.s32 v32, v0;
	v11 =	vsel vm3, $0xFFFFFFFF, v11;
	vm3 =	vmand vm5, vm6  }
0x174: {  	vm14 =	vge.s32 v32, v0;
	vm15 =	vlt.s32 v32, v1;
	[tilespmem:$0x1FFD0] =	vst v11;
	v12 =	vsel vm3, $0xFFFFFFFF, v12  }
0x175: {  	v26 =	vand.u32 $0xFFFFFF80, v50;
	[tilespmem:$0x1FFE0] =	vst v12;
	v12 =	vand.u32 $0x3FF, v22;
	v11 =	vand.u32 $0x3FF, v19  }
0x176: {  	v57 =	vld.idx.msk [tilespmem:v17+s4+$0x0], $0xffff;
	v55 =	vshra.s32 v19, $0xA;
	v19 =	vor.u32 v28, v34;
	v28 =	vand.u32 $0x3FF, v21  }
0x177: {  	v24 =	vor.u32 s5, v6;
	v29 =	vadd.s32 v40, v29;
	v31 =	vadd.s32 v53, v45;
	[tilespmem:v42+s28+$0x0] =	vst.idx.msk vm4, v47  }
0x178: {  	vm3 =	vmand vm1, vm2;
	vm1 =	vlt.s32 v29, v1;
	v22 =	vor.u32 s6, v6;
	[tilespmem:v42+s29+$0x0] =	vst.idx.msk vm4, v23;
	v23 =	vld [tilespmem:$0x1FFF0]  }
0x179: {  	v45 =	vsub.s32 v31, v0;
	v21 =	vor.u32 v27, v33;
	v27 =	vld.idx.msk [tilespmem:v14+s4+$0x0], $0xffff;
	[tilespmem:v30+s28+$0x0] =	vst.idx.msk vm0, v22  }
0x17a: {  	vm10 =	vge.s32 v31, v0;
	vm11 =	vlt.s32 v31, v1;
	[tilespmem:v30+s29+$0x0] =	vst.idx.msk vm0, v15;
	v49 =	vld.idx.msk [tilespmem:v12+s4+$0x0], $0xffff  }
0x17b: {  	v36 =	vand.u32 $0xFFFFFF80, v45;
	v15 =	vmovc v28;
	vm0 =	vge.s32 v29, v0;
	v59 =	vld.idx.msk [tilespmem:v28+s4+$0x0], $0xffff;
	v28 =	vsub.s32 v29, v0  }
0x17c: {  	vm1 =	vmand vm0, vm1;
	v58 =	vld.idx.msk [tilespmem:v11+s4+$0x0], $0xffff;
	v29 =	vand.u32 $0x7F, v29;
	v28 =	vand.u32 $0xFFFFFF80, v28  }
0x17d: {  	v30 =	vadd.s32 v52, v57;
	vm4 =	vnez.u8 v23;
	v60 =	vor.u32 v29, v28  }
0x17e: {  	s0 =	sadd.s32 $0x8, s0;
	v22 =	vor.u32 s2, v6;
	v61 =	vsub.s32 v30, v0;
	v29 =	vadd.s32 v54, v27  }
0x17f: {  	p1 =	slt.u32 s0, $0x1F8;
	vm12 =	vge.s32 v30, v0;
	vm13 =	vlt.s32 v30, v1;
	v62 =	vsub.s32 v29, v0  }
.Ltmp6:
0x180: {  	vm7 =	vge.s32 v29, v0;
	vm8 =	vlt.s32 v29, v1;
	v27 =	vadd.s32 v43, v49;
	(pc) =	sbr.rel @p1 .LBB2_3-.Ltmp6, $4  }
0x181: {  	v13 =	vmovc v39;
	v28 =	vadd.s32 v55, v58;
	v37 =	vadd.s32 v44, v59;
	v33 =	vsub.s32 v27, v0  }
0x182: {  	s26 =	sadd.s32 $0xFFFFFFE8, s31;
	s18 =	sadd.s32 $0xFFFFFFEC, s31;
	v39 =	vand.u32 $0xFFFFFF80, v61;
	v34 =	vsub.s32 v28, v0;
	vm9 =	vge.s32 v37, v0;
	[tilespmem:v60+s28+$0x0] =	vst.idx.msk vm1, v63  }
0x183: {  	s19 =	sadd.s32 $0xFFFFFFF0, s31;
	s1 =	sadd.s32 $0xFFFFFFF4, s31;
	s5 =	sadd.s32 $0xFFFFFFF8, s31;
	v35 =	vand.u32 $0xFFFFFF80, v62;
	v40 =	vsub.s32 v37, v0;
	vm0 =	vlt.s32 v37, v1;
	[tilespmem:v20+s28+$0x0] =	vst.idx.msk vm4, v48  }
0x184: {  	s3 =	sadd.s32 $0x80, s3;
	s6 =	sadd.s32 $0xFFFFFFE4, s31;
	s2 =	sadd.s32 $0xFFFFFFFC, s31;
	vm5 =	vge.s32 v28, v0;
	vm6 =	vlt.s32 v28, v1;
	v38 =	vand.u32 $0xFFFFFF80, v40;
	[tilespmem:v60+s29+$0x0] =	vst.idx.msk vm1, v41  }
0x185: {  	_ =	sdelay $0x4  }
0x186: {  	[tilespmem:v20+s29+$0x0] =	vst.idx.msk vm4, v10  }
0x187: {  	v20 =	vld [tilespmem:$0x1FFD0];
	_ =	sdelay $0x4  }
0x188: {  	vm1 =	vnez.u8 v20;
	_ =	sdelay $0x5  }
0x189: {  	vm0 =	vmand vm9, vm0;
	v47 =	vand.u32 $0x7F, v37;
	[tilespmem:v18+s28+$0x0] =	vst.idx.msk vm1, v25  }
0x18a: {  	[tilespmem:v18+s29+$0x0] =	vst.idx.msk vm1, v8;
	v8 =	vor.u32 v47, v38  }
0x18b: {  	vm15 =	vmand vm14, vm15;
	v48 =	vand.u32 $0x7F, v32;
	v18 =	vld [tilespmem:$0x1FFE0]  }
0x18c: {  	v49 =	vor.u32 v48, v26  }
0x18d: {  	vm9 =	vmand vm12, vm13;
	v50 =	vand.u32 $0x7F, v30;
	[tilespmem:v21+s28+$0x0] =	vst.idx.msk vm3, v22  }
0x18e: {  	v51 =	vor.u32 s6, v6;
	[tilespmem:v21+s29+$0x0] =	vst.idx.msk vm3, v7;
	v7 =	vor.u32 v50, v39  }
0x18f: {  	vm11 =	vmand vm10, vm11;
	v52 =	vand.u32 $0x7F, v31;
	[tilespmem:v8+s28+$0x0] =	vst.idx.msk vm0, v51  }
0x190: {  	v53 =	vor.u32 s26, v6;
	vm2 =	vnez.u8 v18;
	[tilespmem:v8+s29+$0x0] =	vst.idx.msk vm0, v15;
	v8 =	vor.u32 v52, v36  }
0x191: {  	[tilespmem:v49+s28+$0x0] =	vst.idx.msk vm15, v53  }
0x192: {  	v57 =	vor.u32 s18, v6;
	[tilespmem:v49+s29+$0x0] =	vst.idx.msk vm15, v13  }
0x193: {  	vm12 =	vmand vm7, vm8;
	v54 =	vand.u32 $0x7F, v29;
	[tilespmem:v7+s28+$0x0] =	vst.idx.msk vm9, v57  }
0x194: {  	v55 =	vand.u32 $0xFFFFFF80, v34;
	v59 =	vor.u32 s19, v6;
	v56 =	vor.u32 v54, v35;
	[tilespmem:v7+s29+$0x0] =	vst.idx.msk vm9, v17  }
0x195: {  	vm13 =	vmand vm5, vm6;
	vm14 =	vge.s32 v27, v0;
	v58 =	vand.u32 $0x7F, v28;
	[tilespmem:v8+s28+$0x0] =	vst.idx.msk vm11, v59  }
0x196: {  	vm15 =	vlt.s32 v27, v1;
	v7 =	vor.u32 v58, v55;
	[tilespmem:v19+s28+$0x0] =	vst.idx.msk vm2, v24  }
0x197: {  	v60 =	vand.u32 $0xFFFFFF80, v33;
	v61 =	vand.u32 $0x7F, v27;
	[tilespmem:v19+s29+$0x0] =	vst.idx.msk vm2, v9;
	vm2 =	vmand vm14, vm15  }
0x198: {  	v62 =	vor.u32 s1, v6;
	[tilespmem:v8+s29+$0x0] =	vst.idx.msk vm11, v16;
	v8 =	vor.u32 v61, v60  }
0x199: {  	[tilespmem:v56+s28+$0x0] =	vst.idx.msk vm12, v62  }
0x19a: {  	v63 =	vor.u32 s5, v6;
	[tilespmem:v56+s29+$0x0] =	vst.idx.msk vm12, v14  }
0x19b: {  	[tilespmem:v7+s28+$0x0] =	vst.idx.msk vm13, v63  }
0x19c: {  	[tilespmem:v7+s29+$0x0] =	vst.idx.msk vm13, v11;
	v7 =	vor.u32 s2, v6  }
0x19d: {  	[tilespmem:v8+s28+$0x0] =	vst.idx.msk vm2, v7  }
0x19e: {  	[tilespmem:v8+s29+$0x0] =	vst.idx.msk vm2, v12  }
0x19f: {  	[hbm4b:s9+s4] =	stream.linear.scatter [tilespmem:s28], [sflag:$0x2], $0x200, $0x38;
	[tilespmem:$0x3380] =	vst v63  }
0x1a0: {  	_ = 	snop  }
0x1a1: {  	[hbm4b:s10+s4] =	stream.linear.scatter [tilespmem:s29], [sflag:$0x2], $0x200, $0x38;
	[tilespmem:$0x3380] =	vst v63  }
0x1a2: {  	_ =	swait.ge [sflag:s25], $0x200  }
.Ltmp7:
0x1a3: {  	[sflag:s25] =	ssyncset.done $0x0;
	(pc) =	sbr.rel .LBB2_10-.Ltmp7, $4  }
0x1a4: {  	[sflag:s25] =	ssyncadd.s32 $0xFFFFFE00  }
0x1a5: {  	_ =	swait.ge [sflag:s25], $0x200  }
0x1a6: {  	[sflag:s25] =	ssyncset.done $0x0  }
0x1a7: {  	[sflag:s25] =	ssyncadd.s32 $0xFFFFFE00  }
.LBB2_11:
0x1a8: {  	_ =	sfence.sel $0x180000  }
0x1a9: {  	[bflag:$0x0] =	sbarrier.arrive $0xFFFF  }
0x1aa: {  	_ =	strace $0x90000047  }
0x1ab: {  	s0 =	stileid.u32;
	[bflag:$0x2] =	sbarrier.arrive $0xFFFF  }
0x1ac: {  	p0 =	sne.s32 s0, $0x0;
	s0 =	rddreg [dreg:$0x4]  }
0x1ad: {  	s0 =	sadd.s32 @!p0 $0x100000, s0  }
0x1ae: {  	[sflag:s0] =	ssyncadd.tile.s32 @!p0 $0x1;
	_ =	shalt  }
.Lfunc_end2:
_tile_overlayer_lowered:
.L_overlay_start_2:
0x1af: {  	(tag) =	ssettag $0x2  }
0x1b0: {  	s0 =	rddreg [dreg:$0x0];
	s2 =	stileid.u32  }
0x1b1: {  	s1 =	rddreg [dreg:$0x1];
	p0 =	sne.s32 s2, $0x0  }
0x1b2: {  	s3 =	rddreg [dreg:$0x2];
	[bflag:$0x3] =	sbarrier.arrive $0xFFFF;
	s2 =	simm.s32 @!p0 $0x1C03  }
0x1b3: {  	[timem:s3], [sflag:s2] =	dma.local @!p0 [hbm:s0], s1  }
0x1b4: {  	s0 =	simm.s32 @!p0 $0x3  }
0x1b5: {  	_ =	swait.ge @!p0 [sflag:s0], s1  }
0x1b6: {  	s1 =	ssub.s32 @!p0 $0x0, s1;
	[sflag:s0] =	ssyncset.done @!p0 $0x0  }
0x1b7: {  	[sflag:s0] =	ssyncadd.s32 @!p0 s1  }
0x1b8: {  	[bflag:$0x3] =	sbarrier.arrive $0xFFFF  }
0x1b9: {  	_ =	shalt  }

</sc_bundles>
